<compile_context>
chip_gen: v7x
topology: tpu7x:2x2x1
jax: 0.10.2.dev20260603
libtpu: 0.0.44.dev20260713+nightly
codegen_flags: <defaults>
</compile_context>

<pallas_src>
import functools
import jax
import jax.numpy as jnp
from jax import lax
from jax.experimental import pallas as pl
from jax.experimental.pallas import tpu as pltpu
from jax.experimental.pallas import tpu_sc as plsc

N_ATOMS = 4_000_000
NC, NS, L = 2, 16, 16
NW = NC * NS
ROWS = 31744
RPT = ROWS // NW
NCH = 4
RC = RPT // NCH
GRP = 128 // L
TBL = 128

_mesh = plsc.VectorSubcoreMesh(
    core_axis_name="c", subcore_axis_name="s", num_cores=NC, num_subcores=NS
)


@functools.partial(
    pl.kernel,
    out_type=jax.ShapeDtypeStruct((ROWS, 128), jnp.int32),
    mesh=_mesh,
    scratch_types=[
        pltpu.VMEM((1, 119), jnp.uint32),
        pltpu.VMEM((2, RC, 128), jnp.int32),
        pltpu.VMEM((2, RC, 128), jnp.int32),
        pltpu.SemaphoreType.DMA,
        pltpu.SemaphoreType.DMA,
        pltpu.SemaphoreType.DMA,
        pltpu.SemaphoreType.DMA,
    ],
    compiler_params=pltpu.CompilerParams(
        needs_layout_passes=False, use_tc_tiling_on_sc=True
    ),
)
def _sc_lookup(in_hbm, tbl_hbm, out_hbm, tbl_v, ibuf, obuf, si0, si1, so0, so1):
    wid = lax.axis_index("s") * NC + lax.axis_index("c")
    pltpu.sync_copy(tbl_hbm, tbl_v)
    tbl_i = tbl_v.bitcast(jnp.int32)
    zero16 = jnp.zeros((L,), jnp.int32)
    r0 = wid * RPT
    isems = (si0, si1)
    osems = (so0, so1)

    def start_in(c):
        return pltpu.async_copy(
            in_hbm.bitcast(jnp.int32).at[pl.ds(r0 + c * RC, RC)], ibuf.at[jnp.int32(c % 2)], isems[c % 2]
        )

    def start_out(c):
        return pltpu.async_copy(
            obuf.at[jnp.int32(c % 2)], out_hbm.at[pl.ds(r0 + c * RC, RC)], osems[c % 2]
        )

    pending_in = {0: start_in(0)}
    pending_out = {}
    for c in range(NCH):
        if c + 1 < NCH:
            pending_in[c + 1] = start_in(c + 1)
        pending_in.pop(c).wait()
        if c - 2 >= 0:
            pending_out.pop(c - 2).wait()
        ib = ibuf.at[jnp.int32(c % 2)]
        ob = obuf.at[jnp.int32(c % 2)]

        @plsc.parallel_loop(jnp.int32(0), jnp.int32(RC), jnp.int32(1), unroll=4)
        def _row(r):
            for g in range(GRP):
                idx = ib[r, pl.ds(g * L, L)]
                ob[r, pl.ds(g * L, L)] = plsc.load_gather(tbl_i, [zero16, idx])

        pending_out[c] = start_out(c)
    for c in sorted(pending_out):
        pending_out.pop(c).wait()


def kernel(atomic_numbers, lookup_table):
    idx32 = lax.convert_element_type(atomic_numbers, jnp.uint32)
    idx32 = jnp.pad(idx32, (0, ROWS * 128 - N_ATOMS)).reshape(ROWS, 128)
    tbl32 = lax.convert_element_type(lookup_table, jnp.uint32).reshape(1, 119)
    out32 = _sc_lookup(idx32, tbl32)
    return out32.reshape(-1)[:N_ATOMS].astype(jnp.int64)

# --- scband reference (transcript-rebuilt; emitter-appended) ---
"""Pipeline reference for scband-chemical-species-to-atom-type-mapper-10136122818789 (READ-ONLY COPY).

The authoritative reference and input builder live on the scoring server;
editing this copy changes nothing except your own understanding.
"""

import jax, jax.numpy as jnp
import numpy as np
jax.config.update("jax_enable_x64", True)

N_ATOMS = 4000000
TABLE_SIZE = 119  # max(ase.data.atomic_numbers.values()) == 118, table indices 0..118
NUM_TYPES = 118   # identity mapping over full periodic table (H..Og)


def _build_lookup_table():
    # lookup_table[z] = atom type index for atomic number z.
    # Identity mapping: chemical symbol with atomic number z (1..118) -> type index z-1.
    # Entry 0 ('X' placeholder in ase) stays -1 (unmapped), matching the torch buffer init.
    table = np.full((TABLE_SIZE,), -1, dtype=np.int64)
    table[1:NUM_TYPES + 1] = np.arange(NUM_TYPES, dtype=np.int64)
    return jnp.asarray(table)


def setup_inputs(seed: int = 0) -> dict:
    key = jax.random.key(seed)
    atomic_numbers = jax.random.randint(key, (N_ATOMS,), 0, 119, dtype=jnp.int64)
    lookup_table = _build_lookup_table()
    return {"atomic_numbers": atomic_numbers, "lookup_table": lookup_table}


def reference(atomic_numbers, lookup_table):
    # torch.index_select(self.lookup_table, 0, atomic_numbers)
    atom_types = jnp.take(lookup_table, atomic_numbers, axis=0)
    # NOTE: the torch module raises if any mapped type is < 0 (data-dependent control
    # flow); the numerical computation itself is just this gather, so we return it.
    return atom_types

if __name__ == "__main__":
    import jax
    _d = setup_inputs()
    print(jax.jit(kernel)(*tuple(_d.values())))

</pallas_src>

<mosaic_0001>
#map = affine_map<(d0, d1) -> (0, 0)>
module attributes {stable_mosaic.version = 14 : i64} {
  func.func @_sc_lookup(%arg0: i32, %arg1: i32, %arg2: memref<31744x128xi32, #tpu.memory_space<hbm>>, %arg3: memref<1x119xi32, #tpu.memory_space<hbm>>, %arg4: memref<31744x128xi32, #tpu.memory_space<hbm>>, %arg5: memref<1x119xi32, #tpu.memory_space<vmem>>, %arg6: memref<2x248x128xi32, #tpu.memory_space<vmem>>, %arg7: memref<2x248x128xi32, #tpu.memory_space<vmem>>, %arg8: memref<!tpu.dma_semaphore, #tpu.memory_space<semaphore_mem>>, %arg9: memref<!tpu.dma_semaphore, #tpu.memory_space<semaphore_mem>>, %arg10: memref<!tpu.dma_semaphore, #tpu.memory_space<semaphore_mem>>, %arg11: memref<!tpu.dma_semaphore, #tpu.memory_space<semaphore_mem>>) attributes {dimension_semantics = [#tpu.dimension_semantics<core_parallel>, #tpu.dimension_semantics<subcore_parallel>], iteration_bounds = array<i64: 2, 16>, scalar_prefetch = 0 : i64, scratch_operands = 7 : i64, tpu.core_type = #tpu.core_type<sc_vector_subcore>, window_params = [{transform_indices = #map}, {transform_indices = #map}, {transform_indices = #map}]} {
    %mul3A = arith.constant 2 : i32
    %mul3A_0 = arith.muli %arg1, %mul3A : i32
    %add3A = arith.addi %mul3A_0, %arg0 : i32
    "tpu.region"() ({
      %run_scoped3A = tpu.sem_alloc : memref<!tpu.dma_semaphore, #tpu.memory_space<semaphore_mem>>
      tpu.enqueue_dma source(%arg3 : memref<1x119xi32, #tpu.memory_space<hbm>>) target(%arg5 : memref<1x119xi32, #tpu.memory_space<vmem>>) target_semaphore(%run_scoped3A : memref<!tpu.dma_semaphore, #tpu.memory_space<semaphore_mem>>)
      tpu.wait_dma2 semaphore(%run_scoped3A : memref<!tpu.dma_semaphore, #tpu.memory_space<semaphore_mem>>) src(%arg3 : memref<1x119xi32, #tpu.memory_space<hbm>>) dst(%arg5 : memref<1x119xi32, #tpu.memory_space<vmem>>)
      tpu.yield
    }) : () -> ()
    %broadcast_in_dim3A = arith.constant 0 : i32
    %broadcast_in_dim3A_1 = vector.broadcast %broadcast_in_dim3A : i32 to vector<16xi32>
    %mul3A_2 = arith.constant 992 : i32
    %mul3A_3 = arith.muli %add3A, %mul3A_2 : i32
    %add3A_4 = arith.constant 0 : i32
    %add3A_5 = arith.addi %mul3A_3, %add3A_4 : i32
    %dma_start3A = arith.constant 0 : i32
    %dma_start3A_6 = arith.constant 0 : i32
    %dma_start3A_7 = arith.constant 0 : i32
    %dma_start3A_8 = tpu.memref_slice %arg6[%dma_start3A, %dma_start3A_6, %dma_start3A_7] : memref<2x248x128xi32, #tpu.memory_space<vmem>> -> memref<1x248x128xi32, #tpu.memory_space<vmem>>
    %dma_start3A_9 = tpu.memref_squeeze %dma_start3A_8 : memref<1x248x128xi32, #tpu.memory_space<vmem>> -> memref<248x128xi32, #tpu.memory_space<vmem>>
    %dma_start3A_10 = tpu.memref_bitcast %arg2 : memref<31744x128xi32, #tpu.memory_space<hbm>> -> memref<31744x128xi32, #tpu.memory_space<hbm>>
    %dma_start3A_11 = arith.constant 0 : i32
    %dma_start3A_12 = tpu.memref_slice %dma_start3A_10[%add3A_5, %dma_start3A_11] : memref<31744x128xi32, #tpu.memory_space<hbm>> -> memref<248x128xi32, #tpu.memory_space<hbm>>
    %dma_start3A_13 = arith.constant 0 : i32
    %dma_start3A_14 = arith.constant 0 : i32
    %dma_start3A_15 = tpu.memref_slice %arg6[%dma_start3A, %dma_start3A_13, %dma_start3A_14] : memref<2x248x128xi32, #tpu.memory_space<vmem>> -> memref<1x248x128xi32, #tpu.memory_space<vmem>>
    %dma_start3A_16 = tpu.memref_squeeze %dma_start3A_15 : memref<1x248x128xi32, #tpu.memory_space<vmem>> -> memref<248x128xi32, #tpu.memory_space<vmem>>
    %dma_start3A_17 = tpu.memref_bitcast %arg2 : memref<31744x128xi32, #tpu.memory_space<hbm>> -> memref<31744x128xi32, #tpu.memory_space<hbm>>
    %dma_start3A_18 = arith.constant 0 : i32
    %dma_start3A_19 = tpu.memref_slice %dma_start3A_17[%add3A_5, %dma_start3A_18] : memref<31744x128xi32, #tpu.memory_space<hbm>> -> memref<248x128xi32, #tpu.memory_space<hbm>>
    tpu.enqueue_dma source(%dma_start3A_19 : memref<248x128xi32, #tpu.memory_space<hbm>>) target(%dma_start3A_16 : memref<248x128xi32, #tpu.memory_space<vmem>>) target_semaphore(%arg8 : memref<!tpu.dma_semaphore, #tpu.memory_space<semaphore_mem>>)
    %add3A_20 = arith.constant 248 : i32
    %add3A_21 = arith.addi %mul3A_3, %add3A_20 : i32
    %dma_start3A_22 = arith.constant 1 : i32
    %dma_start3A_23 = arith.constant 0 : i32
    %dma_start3A_24 = arith.constant 0 : i32
    %dma_start3A_25 = tpu.memref_slice %arg6[%dma_start3A_22, %dma_start3A_23, %dma_start3A_24] : memref<2x248x128xi32, #tpu.memory_space<vmem>> -> memref<1x248x128xi32, #tpu.memory_space<vmem>>
    %dma_start3A_26 = tpu.memref_squeeze %dma_start3A_25 : memref<1x248x128xi32, #tpu.memory_space<vmem>> -> memref<248x128xi32, #tpu.memory_space<vmem>>
    %dma_start3A_27 = tpu.memref_bitcast %arg2 : memref<31744x128xi32, #tpu.memory_space<hbm>> -> memref<31744x128xi32, #tpu.memory_space<hbm>>
    %dma_start3A_28 = arith.constant 0 : i32
    %dma_start3A_29 = tpu.memref_slice %dma_start3A_27[%add3A_21, %dma_start3A_28] : memref<31744x128xi32, #tpu.memory_space<hbm>> -> memref<248x128xi32, #tpu.memory_space<hbm>>
    %dma_start3A_30 = arith.constant 0 : i32
    %dma_start3A_31 = arith.constant 0 : i32
    %dma_start3A_32 = tpu.memref_slice %arg6[%dma_start3A_22, %dma_start3A_30, %dma_start3A_31] : memref<2x248x128xi32, #tpu.memory_space<vmem>> -> memref<1x248x128xi32, #tpu.memory_space<vmem>>
    %dma_start3A_33 = tpu.memref_squeeze %dma_start3A_32 : memref<1x248x128xi32, #tpu.memory_space<vmem>> -> memref<248x128xi32, #tpu.memory_space<vmem>>
    %dma_start3A_34 = tpu.memref_bitcast %arg2 : memref<31744x128xi32, #tpu.memory_space<hbm>> -> memref<31744x128xi32, #tpu.memory_space<hbm>>
    %dma_start3A_35 = arith.constant 0 : i32
    %dma_start3A_36 = tpu.memref_slice %dma_start3A_34[%add3A_21, %dma_start3A_35] : memref<31744x128xi32, #tpu.memory_space<hbm>> -> memref<248x128xi32, #tpu.memory_space<hbm>>
    tpu.enqueue_dma source(%dma_start3A_36 : memref<248x128xi32, #tpu.memory_space<hbm>>) target(%dma_start3A_33 : memref<248x128xi32, #tpu.memory_space<vmem>>) target_semaphore(%arg9 : memref<!tpu.dma_semaphore, #tpu.memory_space<semaphore_mem>>)
    %dma_wait3A = arith.constant 0 : i32
    %dma_wait3A_37 = arith.constant 0 : i32
    %dma_wait3A_38 = arith.constant 0 : i32
    %dma_wait3A_39 = tpu.memref_slice %arg6[%dma_wait3A, %dma_wait3A_37, %dma_wait3A_38] : memref<2x248x128xi32, #tpu.memory_space<vmem>> -> memref<1x248x128xi32, #tpu.memory_space<vmem>>
    %dma_wait3A_40 = tpu.memref_squeeze %dma_wait3A_39 : memref<1x248x128xi32, #tpu.memory_space<vmem>> -> memref<248x128xi32, #tpu.memory_space<vmem>>
    %dma_wait3A_41 = tpu.memref_bitcast %arg2 : memref<31744x128xi32, #tpu.memory_space<hbm>> -> memref<31744x128xi32, #tpu.memory_space<hbm>>
    %dma_wait3A_42 = arith.constant 0 : i32
    %dma_wait3A_43 = tpu.memref_slice %dma_wait3A_41[%add3A_5, %dma_wait3A_42] : memref<31744x128xi32, #tpu.memory_space<hbm>> -> memref<248x128xi32, #tpu.memory_space<hbm>>
    %dma_wait3A_44 = arith.constant 0 : i32
    %dma_wait3A_45 = arith.constant 0 : i32
    %dma_wait3A_46 = tpu.memref_slice %arg6[%dma_wait3A, %dma_wait3A_44, %dma_wait3A_45] : memref<2x248x128xi32, #tpu.memory_space<vmem>> -> memref<1x248x128xi32, #tpu.memory_space<vmem>>
    %dma_wait3A_47 = tpu.memref_squeeze %dma_wait3A_46 : memref<1x248x128xi32, #tpu.memory_space<vmem>> -> memref<248x128xi32, #tpu.memory_space<vmem>>
    %dma_wait3A_48 = tpu.memref_bitcast %arg2 : memref<31744x128xi32, #tpu.memory_space<hbm>> -> memref<31744x128xi32, #tpu.memory_space<hbm>>
    %dma_wait3A_49 = arith.constant 0 : i32
    %dma_wait3A_50 = tpu.memref_slice %dma_wait3A_48[%add3A_5, %dma_wait3A_49] : memref<31744x128xi32, #tpu.memory_space<hbm>> -> memref<248x128xi32, #tpu.memory_space<hbm>>
    tpu.wait_dma2 semaphore(%arg8 : memref<!tpu.dma_semaphore, #tpu.memory_space<semaphore_mem>>) src(%dma_wait3A_50 : memref<248x128xi32, #tpu.memory_space<hbm>>) dst(%dma_wait3A_47 : memref<248x128xi32, #tpu.memory_space<vmem>>)
    %parallel_loop3A = arith.constant 0 : i32
    %parallel_loop3A_51 = arith.constant 248 : i32
    %parallel_loop3A_52 = arith.constant 1 : i32
    %parallel_loop3A_53 = arith.constant 0 : i32
    %parallel_loop3A_54 = arith.constant 0 : i32
    scf.for %parallel_loop3A_261 = %parallel_loop3A to %parallel_loop3A_51 step %parallel_loop3A_52  : i32 {
      %parallel_loop3A_262 = arith.constant 0 : i32
      %parallel_loop3A_263 = arith.constant 0 : i32
      %parallel_loop3A_264 = tpu.memref_slice %arg6[%parallel_loop3A_53, %parallel_loop3A_262, %parallel_loop3A_263] : memref<2x248x128xi32, #tpu.memory_space<vmem>> -> memref<1x248x128xi32, #tpu.memory_space<vmem>>
      %parallel_loop3A_265 = tpu.memref_squeeze %parallel_loop3A_264 : memref<1x248x128xi32, #tpu.memory_space<vmem>> -> memref<248x128xi32, #tpu.memory_space<vmem>>
      %parallel_loop3A_266 = arith.index_cast %parallel_loop3A_261 : i32 to index
      %parallel_loop3A_267 = arith.constant 0 : index
      %parallel_loop3A_268 = tpu.vector_load %parallel_loop3A_265[%parallel_loop3A_266, %parallel_loop3A_267] {strides = array<i32>} : memref<248x128xi32, #tpu.memory_space<vmem>>, vector<16xi32>,
      %parallel_loop3A_269 = tpu.memref_bitcast %arg5 : memref<1x119xi32, #tpu.memory_space<vmem>> -> memref<1x119xi32, #tpu.memory_space<vmem>>
      %parallel_loop3A_270 = tpu.vector_load_idx %parallel_loop3A_269[%broadcast_in_dim3A_1, %parallel_loop3A_268] : memref<1x119xi32, #tpu.memory_space<vmem>>[vector<16xi32>, vector<16xi32>], vector<16xi32>,
      %parallel_loop3A_271 = arith.constant 0 : i32
      %parallel_loop3A_272 = arith.constant 0 : i32
      %parallel_loop3A_273 = tpu.memref_slice %arg7[%parallel_loop3A_54, %parallel_loop3A_271, %parallel_loop3A_272] : memref<2x248x128xi32, #tpu.memory_space<vmem>> -> memref<1x248x128xi32, #tpu.memory_space<vmem>>
      %parallel_loop3A_274 = tpu.memref_squeeze %parallel_loop3A_273 : memref<1x248x128xi32, #tpu.memory_space<vmem>> -> memref<248x128xi32, #tpu.memory_space<vmem>>
      %parallel_loop3A_275 = arith.index_cast %parallel_loop3A_261 : i32 to index
      %parallel_loop3A_276 = arith.constant 0 : index
      %parallel_loop3A_277 = tpu.vector_load %parallel_loop3A_274[%parallel_loop3A_275, %parallel_loop3A_276] {strides = array<i32>} : memref<248x128xi32, #tpu.memory_space<vmem>>, vector<16xi32>,
      tpu.vector_store %parallel_loop3A_274[%parallel_loop3A_275, %parallel_loop3A_276], %parallel_loop3A_270 {strides = array<i32>} : memref<248x128xi32, #tpu.memory_space<vmem>>, vector<16xi32>,
      %parallel_loop3A_278 = arith.constant 0 : i32
      %parallel_loop3A_279 = arith.constant 0 : i32
      %parallel_loop3A_280 = tpu.memref_slice %arg6[%parallel_loop3A_53, %parallel_loop3A_278, %parallel_loop3A_279] : memref<2x248x128xi32, #tpu.memory_space<vmem>> -> memref<1x248x128xi32, #tpu.memory_space<vmem>>
      %parallel_loop3A_281 = tpu.memref_squeeze %parallel_loop3A_280 : memref<1x248x128xi32, #tpu.memory_space<vmem>> -> memref<248x128xi32, #tpu.memory_space<vmem>>
      %parallel_loop3A_282 = arith.index_cast %parallel_loop3A_261 : i32 to index
      %parallel_loop3A_283 = arith.constant 16 : index
      %parallel_loop3A_284 = tpu.vector_load %parallel_loop3A_281[%parallel_loop3A_282, %parallel_loop3A_283] {strides = array<i32>} : memref<248x128xi32, #tpu.memory_space<vmem>>, vector<16xi32>,
      %parallel_loop3A_285 = tpu.memref_bitcast %arg5 : memref<1x119xi32, #tpu.memory_space<vmem>> -> memref<1x119xi32, #tpu.memory_space<vmem>>
      %parallel_loop3A_286 = tpu.vector_load_idx %parallel_loop3A_285[%broadcast_in_dim3A_1, %parallel_loop3A_284] : memref<1x119xi32, #tpu.memory_space<vmem>>[vector<16xi32>, vector<16xi32>], vector<16xi32>,
      %parallel_loop3A_287 = arith.constant 0 : i32
      %parallel_loop3A_288 = arith.constant 0 : i32
      %parallel_loop3A_289 = tpu.memref_slice %arg7[%parallel_loop3A_54, %parallel_loop3A_287, %parallel_loop3A_288] : memref<2x248x128xi32, #tpu.memory_space<vmem>> -> memref<1x248x128xi32, #tpu.memory_space<vmem>>
      %parallel_loop3A_290 = tpu.memref_squeeze %parallel_loop3A_289 : memref<1x248x128xi32, #tpu.memory_space<vmem>> -> memref<248x128xi32, #tpu.memory_space<vmem>>
      %parallel_loop3A_291 = arith.index_cast %parallel_loop3A_261 : i32 to index
      %parallel_loop3A_292 = arith.constant 16 : index
      %parallel_loop3A_293 = tpu.vector_load %parallel_loop3A_290[%parallel_loop3A_291, %parallel_loop3A_292] {strides = array<i32>} : memref<248x128xi32, #tpu.memory_space<vmem>>, vector<16xi32>,
      tpu.vector_store %parallel_loop3A_290[%parallel_loop3A_291, %parallel_loop3A_292], %parallel_loop3A_286 {strides = array<i32>} : memref<248x128xi32, #tpu.memory_space<vmem>>, vector<16xi32>,
      %parallel_loop3A_294 = arith.constant 0 : i32
      %parallel_loop3A_295 = arith.constant 0 : i32
      %parallel_loop3A_296 = tpu.memref_slice %arg6[%parallel_loop3A_53, %parallel_loop3A_294, %parallel_loop3A_295] : memref<2x248x128xi32, #tpu.memory_space<vmem>> -> memref<1x248x128xi32, #tpu.memory_space<vmem>>
      %parallel_loop3A_297 = tpu.memref_squeeze %parallel_loop3A_296 : memref<1x248x128xi32, #tpu.memory_space<vmem>> -> memref<248x128xi32, #tpu.memory_space<vmem>>
      %parallel_loop3A_298 = arith.index_cast %parallel_loop3A_261 : i32 to index
      %parallel_loop3A_299 = arith.constant 32 : index
      %parallel_loop3A_300 = tpu.vector_load %parallel_loop3A_297[%parallel_loop3A_298, %parallel_loop3A_299] {strides = array<i32>} : memref<248x128xi32, #tpu.memory_space<vmem>>, vector<16xi32>,
      %parallel_loop3A_301 = tpu.memref_bitcast %arg5 : memref<1x119xi32, #tpu.memory_space<vmem>> -> memref<1x119xi32, #tpu.memory_space<vmem>>
      %parallel_loop3A_302 = tpu.vector_load_idx %parallel_loop3A_301[%broadcast_in_dim3A_1, %parallel_loop3A_300] : memref<1x119xi32, #tpu.memory_space<vmem>>[vector<16xi32>, vector<16xi32>], vector<16xi32>,
      %parallel_loop3A_303 = arith.constant 0 : i32
      %parallel_loop3A_304 = arith.constant 0 : i32
      %parallel_loop3A_305 = tpu.memref_slice %arg7[%parallel_loop3A_54, %parallel_loop3A_303, %parallel_loop3A_304] : memref<2x248x128xi32, #tpu.memory_space<vmem>> -> memref<1x248x128xi32, #tpu.memory_space<vmem>>
      %parallel_loop3A_306 = tpu.memref_squeeze %parallel_loop3A_305 : memref<1x248x128xi32, #tpu.memory_space<vmem>> -> memref<248x128xi32, #tpu.memory_space<vmem>>
      %parallel_loop3A_307 = arith.index_cast %parallel_loop3A_261 : i32 to index
      %parallel_loop3A_308 = arith.constant 32 : index
      %parallel_loop3A_309 = tpu.vector_load %parallel_loop3A_306[%parallel_loop3A_307, %parallel_loop3A_308] {strides = array<i32>} : memref<248x128xi32, #tpu.memory_space<vmem>>, vector<16xi32>,
      tpu.vector_store %parallel_loop3A_306[%parallel_loop3A_307, %parallel_loop3A_308], %parallel_loop3A_302 {strides = array<i32>} : memref<248x128xi32, #tpu.memory_space<vmem>>, vector<16xi32>,
      %parallel_loop3A_310 = arith.constant 0 : i32
      %parallel_loop3A_311 = arith.constant 0 : i32
      %parallel_loop3A_312 = tpu.memref_slice %arg6[%parallel_loop3A_53, %parallel_loop3A_310, %parallel_loop3A_311] : memref<2x248x128xi32, #tpu.memory_space<vmem>> -> memref<1x248x128xi32, #tpu.memory_space<vmem>>
      %parallel_loop3A_313 = tpu.memref_squeeze %parallel_loop3A_312 : memref<1x248x128xi32, #tpu.memory_space<vmem>> -> memref<248x128xi32, #tpu.memory_space<vmem>>
      %parallel_loop3A_314 = arith.index_cast %parallel_loop3A_261 : i32 to index
      %parallel_loop3A_315 = arith.constant 48 : index
      %parallel_loop3A_316 = tpu.vector_load %parallel_loop3A_313[%parallel_loop3A_314, %parallel_loop3A_315] {strides = array<i32>} : memref<248x128xi32, #tpu.memory_space<vmem>>, vector<16xi32>,
      %parallel_loop3A_317 = tpu.memref_bitcast %arg5 : memref<1x119xi32, #tpu.memory_space<vmem>> -> memref<1x119xi32, #tpu.memory_space<vmem>>
      %parallel_loop3A_318 = tpu.vector_load_idx %parallel_loop3A_317[%broadcast_in_dim3A_1, %parallel_loop3A_316] : memref<1x119xi32, #tpu.memory_space<vmem>>[vector<16xi32>, vector<16xi32>], vector<16xi32>,
      %parallel_loop3A_319 = arith.constant 0 : i32
      %parallel_loop3A_320 = arith.constant 0 : i32
      %parallel_loop3A_321 = tpu.memref_slice %arg7[%parallel_loop3A_54, %parallel_loop3A_319, %parallel_loop3A_320] : memref<2x248x128xi32, #tpu.memory_space<vmem>> -> memref<1x248x128xi32, #tpu.memory_space<vmem>>
      %parallel_loop3A_322 = tpu.memref_squeeze %parallel_loop3A_321 : memref<1x248x128xi32, #tpu.memory_space<vmem>> -> memref<248x128xi32, #tpu.memory_space<vmem>>
      %parallel_loop3A_323 = arith.index_cast %parallel_loop3A_261 : i32 to index
      %parallel_loop3A_324 = arith.constant 48 : index
      %parallel_loop3A_325 = tpu.vector_load %parallel_loop3A_322[%parallel_loop3A_323, %parallel_loop3A_324] {strides = array<i32>} : memref<248x128xi32, #tpu.memory_space<vmem>>, vector<16xi32>,
      tpu.vector_store %parallel_loop3A_322[%parallel_loop3A_323, %parallel_loop3A_324], %parallel_loop3A_318 {strides = array<i32>} : memref<248x128xi32, #tpu.memory_space<vmem>>, vector<16xi32>,
      %parallel_loop3A_326 = arith.constant 0 : i32
      %parallel_loop3A_327 = arith.constant 0 : i32
      %parallel_loop3A_328 = tpu.memref_slice %arg6[%parallel_loop3A_53, %parallel_loop3A_326, %parallel_loop3A_327] : memref<2x248x128xi32, #tpu.memory_space<vmem>> -> memref<1x248x128xi32, #tpu.memory_space<vmem>>
      %parallel_loop3A_329 = tpu.memref_squeeze %parallel_loop3A_328 : memref<1x248x128xi32, #tpu.memory_space<vmem>> -> memref<248x128xi32, #tpu.memory_space<vmem>>
      %parallel_loop3A_330 = arith.index_cast %parallel_loop3A_261 : i32 to index
      %parallel_loop3A_331 = arith.constant 64 : index
      %parallel_loop3A_332 = tpu.vector_load %parallel_loop3A_329[%parallel_loop3A_330, %parallel_loop3A_331] {strides = array<i32>} : memref<248x128xi32, #tpu.memory_space<vmem>>, vector<16xi32>,
      %parallel_loop3A_333 = tpu.memref_bitcast %arg5 : memref<1x119xi32, #tpu.memory_space<vmem>> -> memref<1x119xi32, #tpu.memory_space<vmem>>
      %parallel_loop3A_334 = tpu.vector_load_idx %parallel_loop3A_333[%broadcast_in_dim3A_1, %parallel_loop3A_332] : memref<1x119xi32, #tpu.memory_space<vmem>>[vector<16xi32>, vector<16xi32>], vector<16xi32>,
      %parallel_loop3A_335 = arith.constant 0 : i32
      %parallel_loop3A_336 = arith.constant 0 : i32
      %parallel_loop3A_337 = tpu.memref_slice %arg7[%parallel_loop3A_54, %parallel_loop3A_335, %parallel_loop3A_336] : memref<2x248x128xi32, #tpu.memory_space<vmem>> -> memref<1x248x128xi32, #tpu.memory_space<vmem>>
      %parallel_loop3A_338 = tpu.memref_squeeze %parallel_loop3A_337 : memref<1x248x128xi32, #tpu.memory_space<vmem>> -> memref<248x128xi32, #tpu.memory_space<vmem>>
      %parallel_loop3A_339 = arith.index_cast %parallel_loop3A_261 : i32 to index
      %parallel_loop3A_340 = arith.constant 64 : index
      %parallel_loop3A_341 = tpu.vector_load %parallel_loop3A_338[%parallel_loop3A_339, %parallel_loop3A_340] {strides = array<i32>} : memref<248x128xi32, #tpu.memory_space<vmem>>, vector<16xi32>,
      tpu.vector_store %parallel_loop3A_338[%parallel_loop3A_339, %parallel_loop3A_340], %parallel_loop3A_334 {strides = array<i32>} : memref<248x128xi32, #tpu.memory_space<vmem>>, vector<16xi32>,
      %parallel_loop3A_342 = arith.constant 0 : i32
      %parallel_loop3A_343 = arith.constant 0 : i32
      %parallel_loop3A_344 = tpu.memref_slice %arg6[%parallel_loop3A_53, %parallel_loop3A_342, %parallel_loop3A_343] : memref<2x248x128xi32, #tpu.memory_space<vmem>> -> memref<1x248x128xi32, #tpu.memory_space<vmem>>
      %parallel_loop3A_345 = tpu.memref_squeeze %parallel_loop3A_344 : memref<1x248x128xi32, #tpu.memory_space<vmem>> -> memref<248x128xi32, #tpu.memory_space<vmem>>
      %parallel_loop3A_346 = arith.index_cast %parallel_loop3A_261 : i32 to index
      %parallel_loop3A_347 = arith.constant 80 : index
      %parallel_loop3A_348 = tpu.vector_load %parallel_loop3A_345[%parallel_loop3A_346, %parallel_loop3A_347] {strides = array<i32>} : memref<248x128xi32, #tpu.memory_space<vmem>>, vector<16xi32>,
      %parallel_loop3A_349 = tpu.memref_bitcast %arg5 : memref<1x119xi32, #tpu.memory_space<vmem>> -> memref<1x119xi32, #tpu.memory_space<vmem>>
      %parallel_loop3A_350 = tpu.vector_load_idx %parallel_loop3A_349[%broadcast_in_dim3A_1, %parallel_loop3A_348] : memref<1x119xi32, #tpu.memory_space<vmem>>[vector<16xi32>, vector<16xi32>], vector<16xi32>,
      %parallel_loop3A_351 = arith.constant 0 : i32
      %parallel_loop3A_352 = arith.constant 0 : i32
      %parallel_loop3A_353 = tpu.memref_slice %arg7[%parallel_loop3A_54, %parallel_loop3A_351, %parallel_loop3A_352] : memref<2x248x128xi32, #tpu.memory_space<vmem>> -> memref<1x248x128xi32, #tpu.memory_space<vmem>>
      %parallel_loop3A_354 = tpu.memref_squeeze %parallel_loop3A_353 : memref<1x248x128xi32, #tpu.memory_space<vmem>> -> memref<248x128xi32, #tpu.memory_space<vmem>>
      %parallel_loop3A_355 = arith.index_cast %parallel_loop3A_261 : i32 to index
      %parallel_loop3A_356 = arith.constant 80 : index
      %parallel_loop3A_357 = tpu.vector_load %parallel_loop3A_354[%parallel_loop3A_355, %parallel_loop3A_356] {strides = array<i32>} : memref<248x128xi32, #tpu.memory_space<vmem>>, vector<16xi32>,
      tpu.vector_store %parallel_loop3A_354[%parallel_loop3A_355, %parallel_loop3A_356], %parallel_loop3A_350 {strides = array<i32>} : memref<248x128xi32, #tpu.memory_space<vmem>>, vector<16xi32>,
      %parallel_loop3A_358 = arith.constant 0 : i32
      %parallel_loop3A_359 = arith.constant 0 : i32
      %parallel_loop3A_360 = tpu.memref_slice %arg6[%parallel_loop3A_53, %parallel_loop3A_358, %parallel_loop3A_359] : memref<2x248x128xi32, #tpu.memory_space<vmem>> -> memref<1x248x128xi32, #tpu.memory_space<vmem>>
      %parallel_loop3A_361 = tpu.memref_squeeze %parallel_loop3A_360 : memref<1x248x128xi32, #tpu.memory_space<vmem>> -> memref<248x128xi32, #tpu.memory_space<vmem>>
      %parallel_loop3A_362 = arith.index_cast %parallel_loop3A_261 : i32 to index
      %parallel_loop3A_363 = arith.constant 96 : index
      %parallel_loop3A_364 = tpu.vector_load %parallel_loop3A_361[%parallel_loop3A_362, %parallel_loop3A_363] {strides = array<i32>} : memref<248x128xi32, #tpu.memory_space<vmem>>, vector<16xi32>,
      %parallel_loop3A_365 = tpu.memref_bitcast %arg5 : memref<1x119xi32, #tpu.memory_space<vmem>> -> memref<1x119xi32, #tpu.memory_space<vmem>>
      %parallel_loop3A_366 = tpu.vector_load_idx %parallel_loop3A_365[%broadcast_in_dim3A_1, %parallel_loop3A_364] : memref<1x119xi32, #tpu.memory_space<vmem>>[vector<16xi32>, vector<16xi32>], vector<16xi32>,
      %parallel_loop3A_367 = arith.constant 0 : i32
      %parallel_loop3A_368 = arith.constant 0 : i32
      %parallel_loop3A_369 = tpu.memref_slice %arg7[%parallel_loop3A_54, %parallel_loop3A_367, %parallel_loop3A_368] : memref<2x248x128xi32, #tpu.memory_space<vmem>> -> memref<1x248x128xi32, #tpu.memory_space<vmem>>
      %parallel_loop3A_370 = tpu.memref_squeeze %parallel_loop3A_369 : memref<1x248x128xi32, #tpu.memory_space<vmem>> -> memref<248x128xi32, #tpu.memory_space<vmem>>
      %parallel_loop3A_371 = arith.index_cast %parallel_loop3A_261 : i32 to index
      %parallel_loop3A_372 = arith.constant 96 : index
      %parallel_loop3A_373 = tpu.vector_load %parallel_loop3A_370[%parallel_loop3A_371, %parallel_loop3A_372] {strides = array<i32>} : memref<248x128xi32, #tpu.memory_space<vmem>>, vector<16xi32>,
      tpu.vector_store %parallel_loop3A_370[%parallel_loop3A_371, %parallel_loop3A_372], %parallel_loop3A_366 {strides = array<i32>} : memref<248x128xi32, #tpu.memory_space<vmem>>, vector<16xi32>,
      %parallel_loop3A_374 = arith.constant 0 : i32
      %parallel_loop3A_375 = arith.constant 0 : i32
      %parallel_loop3A_376 = tpu.memref_slice %arg6[%parallel_loop3A_53, %parallel_loop3A_374, %parallel_loop3A_375] : memref<2x248x128xi32, #tpu.memory_space<vmem>> -> memref<1x248x128xi32, #tpu.memory_space<vmem>>
      %parallel_loop3A_377 = tpu.memref_squeeze %parallel_loop3A_376 : memref<1x248x128xi32, #tpu.memory_space<vmem>> -> memref<248x128xi32, #tpu.memory_space<vmem>>
      %parallel_loop3A_378 = arith.index_cast %parallel_loop3A_261 : i32 to index
      %parallel_loop3A_379 = arith.constant 112 : index
      %parallel_loop3A_380 = tpu.vector_load %parallel_loop3A_377[%parallel_loop3A_378, %parallel_loop3A_379] {strides = array<i32>} : memref<248x128xi32, #tpu.memory_space<vmem>>, vector<16xi32>,
      %parallel_loop3A_381 = tpu.memref_bitcast %arg5 : memref<1x119xi32, #tpu.memory_space<vmem>> -> memref<1x119xi32, #tpu.memory_space<vmem>>
      %parallel_loop3A_382 = tpu.vector_load_idx %parallel_loop3A_381[%broadcast_in_dim3A_1, %parallel_loop3A_380] : memref<1x119xi32, #tpu.memory_space<vmem>>[vector<16xi32>, vector<16xi32>], vector<16xi32>,
      %parallel_loop3A_383 = arith.constant 0 : i32
      %parallel_loop3A_384 = arith.constant 0 : i32
      %parallel_loop3A_385 = tpu.memref_slice %arg7[%parallel_loop3A_54, %parallel_loop3A_383, %parallel_loop3A_384] : memref<2x248x128xi32, #tpu.memory_space<vmem>> -> memref<1x248x128xi32, #tpu.memory_space<vmem>>
      %parallel_loop3A_386 = tpu.memref_squeeze %parallel_loop3A_385 : memref<1x248x128xi32, #tpu.memory_space<vmem>> -> memref<248x128xi32, #tpu.memory_space<vmem>>
      %parallel_loop3A_387 = arith.index_cast %parallel_loop3A_261 : i32 to index
      %parallel_loop3A_388 = arith.constant 112 : index
      %parallel_loop3A_389 = tpu.vector_load %parallel_loop3A_386[%parallel_loop3A_387, %parallel_loop3A_388] {strides = array<i32>} : memref<248x128xi32, #tpu.memory_space<vmem>>, vector<16xi32>,
      tpu.vector_store %parallel_loop3A_386[%parallel_loop3A_387, %parallel_loop3A_388], %parallel_loop3A_382 {strides = array<i32>} : memref<248x128xi32, #tpu.memory_space<vmem>>, vector<16xi32>,
    } {sc.loop_unroll_factor = 4 : i64, sc.parallel_access}
    %add3A_55 = arith.constant 0 : i32
    %add3A_56 = arith.addi %mul3A_3, %add3A_55 : i32
    %dma_start3A_57 = arith.constant 0 : i32
    %dma_start3A_58 = arith.constant 0 : i32
    %dma_start3A_59 = arith.constant 0 : i32
    %dma_start3A_60 = tpu.memref_slice %arg7[%dma_start3A_57, %dma_start3A_58, %dma_start3A_59] : memref<2x248x128xi32, #tpu.memory_space<vmem>> -> memref<1x248x128xi32, #tpu.memory_space<vmem>>
    %dma_start3A_61 = tpu.memref_squeeze %dma_start3A_60 : memref<1x248x128xi32, #tpu.memory_space<vmem>> -> memref<248x128xi32, #tpu.memory_space<vmem>>
    %dma_start3A_62 = arith.constant 0 : i32
    %dma_start3A_63 = tpu.memref_slice %arg4[%add3A_56, %dma_start3A_62] : memref<31744x128xi32, #tpu.memory_space<hbm>> -> memref<248x128xi32, #tpu.memory_space<hbm>>
    %dma_start3A_64 = arith.constant 0 : i32
    %dma_start3A_65 = tpu.memref_slice %arg4[%add3A_56, %dma_start3A_64] : memref<31744x128xi32, #tpu.memory_space<hbm>> -> memref<248x128xi32, #tpu.memory_space<hbm>>
    %dma_start3A_66 = arith.constant 0 : i32
    %dma_start3A_67 = arith.constant 0 : i32
    %dma_start3A_68 = tpu.memref_slice %arg7[%dma_start3A_57, %dma_start3A_66, %dma_start3A_67] : memref<2x248x128xi32, #tpu.memory_space<vmem>> -> memref<1x248x128xi32, #tpu.memory_space<vmem>>
    %dma_start3A_69 = tpu.memref_squeeze %dma_start3A_68 : memref<1x248x128xi32, #tpu.memory_space<vmem>> -> memref<248x128xi32, #tpu.memory_space<vmem>>
    tpu.enqueue_dma source(%dma_start3A_69 : memref<248x128xi32, #tpu.memory_space<vmem>>) target(%dma_start3A_65 : memref<248x128xi32, #tpu.memory_space<hbm>>) target_semaphore(%arg10 : memref<!tpu.dma_semaphore, #tpu.memory_space<semaphore_mem>>)
    %add3A_70 = arith.constant 496 : i32
    %add3A_71 = arith.addi %mul3A_3, %add3A_70 : i32
    %dma_start3A_72 = arith.constant 0 : i32
    %dma_start3A_73 = arith.constant 0 : i32
    %dma_start3A_74 = arith.constant 0 : i32
    %dma_start3A_75 = tpu.memref_slice %arg6[%dma_start3A_72, %dma_start3A_73, %dma_start3A_74] : memref<2x248x128xi32, #tpu.memory_space<vmem>> -> memref<1x248x128xi32, #tpu.memory_space<vmem>>
    %dma_start3A_76 = tpu.memref_squeeze %dma_start3A_75 : memref<1x248x128xi32, #tpu.memory_space<vmem>> -> memref<248x128xi32, #tpu.memory_space<vmem>>
    %dma_start3A_77 = tpu.memref_bitcast %arg2 : memref<31744x128xi32, #tpu.memory_space<hbm>> -> memref<31744x128xi32, #tpu.memory_space<hbm>>
    %dma_start3A_78 = arith.constant 0 : i32
    %dma_start3A_79 = tpu.memref_slice %dma_start3A_77[%add3A_71, %dma_start3A_78] : memref<31744x128xi32, #tpu.memory_space<hbm>> -> memref<248x128xi32, #tpu.memory_space<hbm>>
    %dma_start3A_80 = arith.constant 0 : i32
    %dma_start3A_81 = arith.constant 0 : i32
    %dma_start3A_82 = tpu.memref_slice %arg6[%dma_start3A_72, %dma_start3A_80, %dma_start3A_81] : memref<2x248x128xi32, #tpu.memory_space<vmem>> -> memref<1x248x128xi32, #tpu.memory_space<vmem>>
    %dma_start3A_83 = tpu.memref_squeeze %dma_start3A_82 : memref<1x248x128xi32, #tpu.memory_space<vmem>> -> memref<248x128xi32, #tpu.memory_space<vmem>>
    %dma_start3A_84 = tpu.memref_bitcast %arg2 : memref<31744x128xi32, #tpu.memory_space<hbm>> -> memref<31744x128xi32, #tpu.memory_space<hbm>>
    %dma_start3A_85 = arith.constant 0 : i32
    %dma_start3A_86 = tpu.memref_slice %dma_start3A_84[%add3A_71, %dma_start3A_85] : memref<31744x128xi32, #tpu.memory_space<hbm>> -> memref<248x128xi32, #tpu.memory_space<hbm>>
    tpu.enqueue_dma source(%dma_start3A_86 : memref<248x128xi32, #tpu.memory_space<hbm>>) target(%dma_start3A_83 : memref<248x128xi32, #tpu.memory_space<vmem>>) target_semaphore(%arg8 : memref<!tpu.dma_semaphore, #tpu.memory_space<semaphore_mem>>)
    %dma_wait3A_87 = arith.constant 1 : i32
    %dma_wait3A_88 = arith.constant 0 : i32
    %dma_wait3A_89 = arith.constant 0 : i32
    %dma_wait3A_90 = tpu.memref_slice %arg6[%dma_wait3A_87, %dma_wait3A_88, %dma_wait3A_89] : memref<2x248x128xi32, #tpu.memory_space<vmem>> -> memref<1x248x128xi32, #tpu.memory_space<vmem>>
    %dma_wait3A_91 = tpu.memref_squeeze %dma_wait3A_90 : memref<1x248x128xi32, #tpu.memory_space<vmem>> -> memref<248x128xi32, #tpu.memory_space<vmem>>
    %dma_wait3A_92 = tpu.memref_bitcast %arg2 : memref<31744x128xi32, #tpu.memory_space<hbm>> -> memref<31744x128xi32, #tpu.memory_space<hbm>>
    %dma_wait3A_93 = arith.constant 0 : i32
    %dma_wait3A_94 = tpu.memref_slice %dma_wait3A_92[%add3A_21, %dma_wait3A_93] : memref<31744x128xi32, #tpu.memory_space<hbm>> -> memref<248x128xi32, #tpu.memory_space<hbm>>
    %dma_wait3A_95 = arith.constant 0 : i32
    %dma_wait3A_96 = arith.constant 0 : i32
    %dma_wait3A_97 = tpu.memref_slice %arg6[%dma_wait3A_87, %dma_wait3A_95, %dma_wait3A_96] : memref<2x248x128xi32, #tpu.memory_space<vmem>> -> memref<1x248x128xi32, #tpu.memory_space<vmem>>
    %dma_wait3A_98 = tpu.memref_squeeze %dma_wait3A_97 : memref<1x248x128xi32, #tpu.memory_space<vmem>> -> memref<248x128xi32, #tpu.memory_space<vmem>>
    %dma_wait3A_99 = tpu.memref_bitcast %arg2 : memref<31744x128xi32, #tpu.memory_space<hbm>> -> memref<31744x128xi32, #tpu.memory_space<hbm>>
    %dma_wait3A_100 = arith.constant 0 : i32
    %dma_wait3A_101 = tpu.memref_slice %dma_wait3A_99[%add3A_21, %dma_wait3A_100] : memref<31744x128xi32, #tpu.memory_space<hbm>> -> memref<248x128xi32, #tpu.memory_space<hbm>>
    tpu.wait_dma2 semaphore(%arg9 : memref<!tpu.dma_semaphore, #tpu.memory_space<semaphore_mem>>) src(%dma_wait3A_101 : memref<248x128xi32, #tpu.memory_space<hbm>>) dst(%dma_wait3A_98 : memref<248x128xi32, #tpu.memory_space<vmem>>)
    %parallel_loop3A_102 = arith.constant 0 : i32
    %parallel_loop3A_103 = arith.constant 248 : i32
    %parallel_loop3A_104 = arith.constant 1 : i32
    %parallel_loop3A_105 = arith.constant 1 : i32
    %parallel_loop3A_106 = arith.constant 1 : i32
    scf.for %parallel_loop3A_261 = %parallel_loop3A_102 to %parallel_loop3A_103 step %parallel_loop3A_104  : i32 {
      %parallel_loop3A_262 = arith.constant 0 : i32
      %parallel_loop3A_263 = arith.constant 0 : i32
      %parallel_loop3A_264 = tpu.memref_slice %arg6[%parallel_loop3A_105, %parallel_loop3A_262, %parallel_loop3A_263] : memref<2x248x128xi32, #tpu.memory_space<vmem>> -> memref<1x248x128xi32, #tpu.memory_space<vmem>>
      %parallel_loop3A_265 = tpu.memref_squeeze %parallel_loop3A_264 : memref<1x248x128xi32, #tpu.memory_space<vmem>> -> memref<248x128xi32, #tpu.memory_space<vmem>>
      %parallel_loop3A_266 = arith.index_cast %parallel_loop3A_261 : i32 to index
      %parallel_loop3A_267 = arith.constant 0 : index
      %parallel_loop3A_268 = tpu.vector_load %parallel_loop3A_265[%parallel_loop3A_266, %parallel_loop3A_267] {strides = array<i32>} : memref<248x128xi32, #tpu.memory_space<vmem>>, vector<16xi32>,
      %parallel_loop3A_269 = tpu.memref_bitcast %arg5 : memref<1x119xi32, #tpu.memory_space<vmem>> -> memref<1x119xi32, #tpu.memory_space<vmem>>
      %parallel_loop3A_270 = tpu.vector_load_idx %parallel_loop3A_269[%broadcast_in_dim3A_1, %parallel_loop3A_268] : memref<1x119xi32, #tpu.memory_space<vmem>>[vector<16xi32>, vector<16xi32>], vector<16xi32>,
      %parallel_loop3A_271 = arith.constant 0 : i32
      %parallel_loop3A_272 = arith.constant 0 : i32
      %parallel_loop3A_273 = tpu.memref_slice %arg7[%parallel_loop3A_106, %parallel_loop3A_271, %parallel_loop3A_272] : memref<2x248x128xi32, #tpu.memory_space<vmem>> -> memref<1x248x128xi32, #tpu.memory_space<vmem>>
      %parallel_loop3A_274 = tpu.memref_squeeze %parallel_loop3A_273 : memref<1x248x128xi32, #tpu.memory_space<vmem>> -> memref<248x128xi32, #tpu.memory_space<vmem>>
      %parallel_loop3A_275 = arith.index_cast %parallel_loop3A_261 : i32 to index
      %parallel_loop3A_276 = arith.constant 0 : index
      %parallel_loop3A_277 = tpu.vector_load %parallel_loop3A_274[%parallel_loop3A_275, %parallel_loop3A_276] {strides = array<i32>} : memref<248x128xi32, #tpu.memory_space<vmem>>, vector<16xi32>,
      tpu.vector_store %parallel_loop3A_274[%parallel_loop3A_275, %parallel_loop3A_276], %parallel_loop3A_270 {strides = array<i32>} : memref<248x128xi32, #tpu.memory_space<vmem>>, vector<16xi32>,
      %parallel_loop3A_278 = arith.constant 0 : i32
      %parallel_loop3A_279 = arith.constant 0 : i32
      %parallel_loop3A_280 = tpu.memref_slice %arg6[%parallel_loop3A_105, %parallel_loop3A_278, %parallel_loop3A_279] : memref<2x248x128xi32, #tpu.memory_space<vmem>> -> memref<1x248x128xi32, #tpu.memory_space<vmem>>
      %parallel_loop3A_281 = tpu.memref_squeeze %parallel_loop3A_280 : memref<1x248x128xi32, #tpu.memory_space<vmem>> -> memref<248x128xi32, #tpu.memory_space<vmem>>
      %parallel_loop3A_282 = arith.index_cast %parallel_loop3A_261 : i32 to index
      %parallel_loop3A_283 = arith.constant 16 : index
      %parallel_loop3A_284 = tpu.vector_load %parallel_loop3A_281[%parallel_loop3A_282, %parallel_loop3A_283] {strides = array<i32>} : memref<248x128xi32, #tpu.memory_space<vmem>>, vector<16xi32>,
      %parallel_loop3A_285 = tpu.memref_bitcast %arg5 : memref<1x119xi32, #tpu.memory_space<vmem>> -> memref<1x119xi32, #tpu.memory_space<vmem>>
      %parallel_loop3A_286 = tpu.vector_load_idx %parallel_loop3A_285[%broadcast_in_dim3A_1, %parallel_loop3A_284] : memref<1x119xi32, #tpu.memory_space<vmem>>[vector<16xi32>, vector<16xi32>], vector<16xi32>,
      %parallel_loop3A_287 = arith.constant 0 : i32
      %parallel_loop3A_288 = arith.constant 0 : i32
      %parallel_loop3A_289 = tpu.memref_slice %arg7[%parallel_loop3A_106, %parallel_loop3A_287, %parallel_loop3A_288] : memref<2x248x128xi32, #tpu.memory_space<vmem>> -> memref<1x248x128xi32, #tpu.memory_space<vmem>>
      %parallel_loop3A_290 = tpu.memref_squeeze %parallel_loop3A_289 : memref<1x248x128xi32, #tpu.memory_space<vmem>> -> memref<248x128xi32, #tpu.memory_space<vmem>>
      %parallel_loop3A_291 = arith.index_cast %parallel_loop3A_261 : i32 to index
      %parallel_loop3A_292 = arith.constant 16 : index
      %parallel_loop3A_293 = tpu.vector_load %parallel_loop3A_290[%parallel_loop3A_291, %parallel_loop3A_292] {strides = array<i32>} : memref<248x128xi32, #tpu.memory_space<vmem>>, vector<16xi32>,
      tpu.vector_store %parallel_loop3A_290[%parallel_loop3A_291, %parallel_loop3A_292], %parallel_loop3A_286 {strides = array<i32>} : memref<248x128xi32, #tpu.memory_space<vmem>>, vector<16xi32>,
      %parallel_loop3A_294 = arith.constant 0 : i32
      %parallel_loop3A_295 = arith.constant 0 : i32
      %parallel_loop3A_296 = tpu.memref_slice %arg6[%parallel_loop3A_105, %parallel_loop3A_294, %parallel_loop3A_295] : memref<2x248x128xi32, #tpu.memory_space<vmem>> -> memref<1x248x128xi32, #tpu.memory_space<vmem>>
      %parallel_loop3A_297 = tpu.memref_squeeze %parallel_loop3A_296 : memref<1x248x128xi32, #tpu.memory_space<vmem>> -> memref<248x128xi32, #tpu.memory_space<vmem>>
      %parallel_loop3A_298 = arith.index_cast %parallel_loop3A_261 : i32 to index
      %parallel_loop3A_299 = arith.constant 32 : index
      %parallel_loop3A_300 = tpu.vector_load %parallel_loop3A_297[%parallel_loop3A_298, %parallel_loop3A_299] {strides = array<i32>} : memref<248x128xi32, #tpu.memory_space<vmem>>, vector<16xi32>,
      %parallel_loop3A_301 = tpu.memref_bitcast %arg5 : memref<1x119xi32, #tpu.memory_space<vmem>> -> memref<1x119xi32, #tpu.memory_space<vmem>>
      %parallel_loop3A_302 = tpu.vector_load_idx %parallel_loop3A_301[%broadcast_in_dim3A_1, %parallel_loop3A_300] : memref<1x119xi32, #tpu.memory_space<vmem>>[vector<16xi32>, vector<16xi32>], vector<16xi32>,
      %parallel_loop3A_303 = arith.constant 0 : i32
      %parallel_loop3A_304 = arith.constant 0 : i32
      %parallel_loop3A_305 = tpu.memref_slice %arg7[%parallel_loop3A_106, %parallel_loop3A_303, %parallel_loop3A_304] : memref<2x248x128xi32, #tpu.memory_space<vmem>> -> memref<1x248x128xi32, #tpu.memory_space<vmem>>
      %parallel_loop3A_306 = tpu.memref_squeeze %parallel_loop3A_305 : memref<1x248x128xi32, #tpu.memory_space<vmem>> -> memref<248x128xi32, #tpu.memory_space<vmem>>
      %parallel_loop3A_307 = arith.index_cast %parallel_loop3A_261 : i32 to index
      %parallel_loop3A_308 = arith.constant 32 : index
      %parallel_loop3A_309 = tpu.vector_load %parallel_loop3A_306[%parallel_loop3A_307, %parallel_loop3A_308] {strides = array<i32>} : memref<248x128xi32, #tpu.memory_space<vmem>>, vector<16xi32>,
      tpu.vector_store %parallel_loop3A_306[%parallel_loop3A_307, %parallel_loop3A_308], %parallel_loop3A_302 {strides = array<i32>} : memref<248x128xi32, #tpu.memory_space<vmem>>, vector<16xi32>,
      %parallel_loop3A_310 = arith.constant 0 : i32
      %parallel_loop3A_311 = arith.constant 0 : i32
      %parallel_loop3A_312 = tpu.memref_slice %arg6[%parallel_loop3A_105, %parallel_loop3A_310, %parallel_loop3A_311] : memref<2x248x128xi32, #tpu.memory_space<vmem>> -> memref<1x248x128xi32, #tpu.memory_space<vmem>>
      %parallel_loop3A_313 = tpu.memref_squeeze %parallel_loop3A_312 : memref<1x248x128xi32, #tpu.memory_space<vmem>> -> memref<248x128xi32, #tpu.memory_space<vmem>>
      %parallel_loop3A_314 = arith.index_cast %parallel_loop3A_261 : i32 to index
      %parallel_loop3A_315 = arith.constant 48 : index
      %parallel_loop3A_316 = tpu.vector_load %parallel_loop3A_313[%parallel_loop3A_314, %parallel_loop3A_315] {strides = array<i32>} : memref<248x128xi32, #tpu.memory_space<vmem>>, vector<16xi32>,
      %parallel_loop3A_317 = tpu.memref_bitcast %arg5 : memref<1x119xi32, #tpu.memory_space<vmem>> -> memref<1x119xi32, #tpu.memory_space<vmem>>
      %parallel_loop3A_318 = tpu.vector_load_idx %parallel_loop3A_317[%broadcast_in_dim3A_1, %parallel_loop3A_316] : memref<1x119xi32, #tpu.memory_space<vmem>>[vector<16xi32>, vector<16xi32>], vector<16xi32>,
      %parallel_loop3A_319 = arith.constant 0 : i32
      %parallel_loop3A_320 = arith.constant 0 : i32
      %parallel_loop3A_321 = tpu.memref_slice %arg7[%parallel_loop3A_106, %parallel_loop3A_319, %parallel_loop3A_320] : memref<2x248x128xi32, #tpu.memory_space<vmem>> -> memref<1x248x128xi32, #tpu.memory_space<vmem>>
      %parallel_loop3A_322 = tpu.memref_squeeze %parallel_loop3A_321 : memref<1x248x128xi32, #tpu.memory_space<vmem>> -> memref<248x128xi32, #tpu.memory_space<vmem>>
      %parallel_loop3A_323 = arith.index_cast %parallel_loop3A_261 : i32 to index
      %parallel_loop3A_324 = arith.constant 48 : index
      %parallel_loop3A_325 = tpu.vector_load %parallel_loop3A_322[%parallel_loop3A_323, %parallel_loop3A_324] {strides = array<i32>} : memref<248x128xi32, #tpu.memory_space<vmem>>, vector<16xi32>,
      tpu.vector_store %parallel_loop3A_322[%parallel_loop3A_323, %parallel_loop3A_324], %parallel_loop3A_318 {strides = array<i32>} : memref<248x128xi32, #tpu.memory_space<vmem>>, vector<16xi32>,
      %parallel_loop3A_326 = arith.constant 0 : i32
      %parallel_loop3A_327 = arith.constant 0 : i32
      %parallel_loop3A_328 = tpu.memref_slice %arg6[%parallel_loop3A_105, %parallel_loop3A_326, %parallel_loop3A_327] : memref<2x248x128xi32, #tpu.memory_space<vmem>> -> memref<1x248x128xi32, #tpu.memory_space<vmem>>
      %parallel_loop3A_329 = tpu.memref_squeeze %parallel_loop3A_328 : memref<1x248x128xi32, #tpu.memory_space<vmem>> -> memref<248x128xi32, #tpu.memory_space<vmem>>
      %parallel_loop3A_330 = arith.index_cast %parallel_loop3A_261 : i32 to index
      %parallel_loop3A_331 = arith.constant 64 : index
      %parallel_loop3A_332 = tpu.vector_load %parallel_loop3A_329[%parallel_loop3A_330, %parallel_loop3A_331] {strides = array<i32>} : memref<248x128xi32, #tpu.memory_space<vmem>>, vector<16xi32>,
      %parallel_loop3A_333 = tpu.memref_bitcast %arg5 : memref<1x119xi32, #tpu.memory_space<vmem>> -> memref<1x119xi32, #tpu.memory_space<vmem>>
      %parallel_loop3A_334 = tpu.vector_load_idx %parallel_loop3A_333[%broadcast_in_dim3A_1, %parallel_loop3A_332] : memref<1x119xi32, #tpu.memory_space<vmem>>[vector<16xi32>, vector<16xi32>], vector<16xi32>,
      %parallel_loop3A_335 = arith.constant 0 : i32
      %parallel_loop3A_336 = arith.constant 0 : i32
      %parallel_loop3A_337 = tpu.memref_slice %arg7[%parallel_loop3A_106, %parallel_loop3A_335, %parallel_loop3A_336] : memref<2x248x128xi32, #tpu.memory_space<vmem>> -> memref<1x248x128xi32, #tpu.memory_space<vmem>>
      %parallel_loop3A_338 = tpu.memref_squeeze %parallel_loop3A_337 : memref<1x248x128xi32, #tpu.memory_space<vmem>> -> memref<248x128xi32, #tpu.memory_space<vmem>>
      %parallel_loop3A_339 = arith.index_cast %parallel_loop3A_261 : i32 to index
      %parallel_loop3A_340 = arith.constant 64 : index
      %parallel_loop3A_341 = tpu.vector_load %parallel_loop3A_338[%parallel_loop3A_339, %parallel_loop3A_340] {strides = array<i32>} : memref<248x128xi32, #tpu.memory_space<vmem>>, vector<16xi32>,
      tpu.vector_store %parallel_loop3A_338[%parallel_loop3A_339, %parallel_loop3A_340], %parallel_loop3A_334 {strides = array<i32>} : memref<248x128xi32, #tpu.memory_space<vmem>>, vector<16xi32>,
      %parallel_loop3A_342 = arith.constant 0 : i32
      %parallel_loop3A_343 = arith.constant 0 : i32
      %parallel_loop3A_344 = tpu.memref_slice %arg6[%parallel_loop3A_105, %parallel_loop3A_342, %parallel_loop3A_343] : memref<2x248x128xi32, #tpu.memory_space<vmem>> -> memref<1x248x128xi32, #tpu.memory_space<vmem>>
      %parallel_loop3A_345 = tpu.memref_squeeze %parallel_loop3A_344 : memref<1x248x128xi32, #tpu.memory_space<vmem>> -> memref<248x128xi32, #tpu.memory_space<vmem>>
      %parallel_loop3A_346 = arith.index_cast %parallel_loop3A_261 : i32 to index
      %parallel_loop3A_347 = arith.constant 80 : index
      %parallel_loop3A_348 = tpu.vector_load %parallel_loop3A_345[%parallel_loop3A_346, %parallel_loop3A_347] {strides = array<i32>} : memref<248x128xi32, #tpu.memory_space<vmem>>, vector<16xi32>,
      %parallel_loop3A_349 = tpu.memref_bitcast %arg5 : memref<1x119xi32, #tpu.memory_space<vmem>> -> memref<1x119xi32, #tpu.memory_space<vmem>>
      %parallel_loop3A_350 = tpu.vector_load_idx %parallel_loop3A_349[%broadcast_in_dim3A_1, %parallel_loop3A_348] : memref<1x119xi32, #tpu.memory_space<vmem>>[vector<16xi32>, vector<16xi32>], vector<16xi32>,
      %parallel_loop3A_351 = arith.constant 0 : i32
      %parallel_loop3A_352 = arith.constant 0 : i32
      %parallel_loop3A_353 = tpu.memref_slice %arg7[%parallel_loop3A_106, %parallel_loop3A_351, %parallel_loop3A_352] : memref<2x248x128xi32, #tpu.memory_space<vmem>> -> memref<1x248x128xi32, #tpu.memory_space<vmem>>
      %parallel_loop3A_354 = tpu.memref_squeeze %parallel_loop3A_353 : memref<1x248x128xi32, #tpu.memory_space<vmem>> -> memref<248x128xi32, #tpu.memory_space<vmem>>
      %parallel_loop3A_355 = arith.index_cast %parallel_loop3A_261 : i32 to index
      %parallel_loop3A_356 = arith.constant 80 : index
      %parallel_loop3A_357 = tpu.vector_load %parallel_loop3A_354[%parallel_loop3A_355, %parallel_loop3A_356] {strides = array<i32>} : memref<248x128xi32, #tpu.memory_space<vmem>>, vector<16xi32>,
      tpu.vector_store %parallel_loop3A_354[%parallel_loop3A_355, %parallel_loop3A_356], %parallel_loop3A_350 {strides = array<i32>} : memref<248x128xi32, #tpu.memory_space<vmem>>, vector<16xi32>,
      %parallel_loop3A_358 = arith.constant 0 : i32
      %parallel_loop3A_359 = arith.constant 0 : i32
      %parallel_loop3A_360 = tpu.memref_slice %arg6[%parallel_loop3A_105, %parallel_loop3A_358, %parallel_loop3A_359] : memref<2x248x128xi32, #tpu.memory_space<vmem>> -> memref<1x248x128xi32, #tpu.memory_space<vmem>>
      %parallel_loop3A_361 = tpu.memref_squeeze %parallel_loop3A_360 : memref<1x248x128xi32, #tpu.memory_space<vmem>> -> memref<248x128xi32, #tpu.memory_space<vmem>>
      %parallel_loop3A_362 = arith.index_cast %parallel_loop3A_261 : i32 to index
      %parallel_loop3A_363 = arith.constant 96 : index
      %parallel_loop3A_364 = tpu.vector_load %parallel_loop3A_361[%parallel_loop3A_362, %parallel_loop3A_363] {strides = array<i32>} : memref<248x128xi32, #tpu.memory_space<vmem>>, vector<16xi32>,
      %parallel_loop3A_365 = tpu.memref_bitcast %arg5 : memref<1x119xi32, #tpu.memory_space<vmem>> -> memref<1x119xi32, #tpu.memory_space<vmem>>
      %parallel_loop3A_366 = tpu.vector_load_idx %parallel_loop3A_365[%broadcast_in_dim3A_1, %parallel_loop3A_364] : memref<1x119xi32, #tpu.memory_space<vmem>>[vector<16xi32>, vector<16xi32>], vector<16xi32>,
      %parallel_loop3A_367 = arith.constant 0 : i32
      %parallel_loop3A_368 = arith.constant 0 : i32
      %parallel_loop3A_369 = tpu.memref_slice %arg7[%parallel_loop3A_106, %parallel_loop3A_367, %parallel_loop3A_368] : memref<2x248x128xi32, #tpu.memory_space<vmem>> -> memref<1x248x128xi32, #tpu.memory_space<vmem>>
      %parallel_loop3A_370 = tpu.memref_squeeze %parallel_loop3A_369 : memref<1x248x128xi32, #tpu.memory_space<vmem>> -> memref<248x128xi32, #tpu.memory_space<vmem>>
      %parallel_loop3A_371 = arith.index_cast %parallel_loop3A_261 : i32 to index
      %parallel_loop3A_372 = arith.constant 96 : index
      %parallel_loop3A_373 = tpu.vector_load %parallel_loop3A_370[%parallel_loop3A_371, %parallel_loop3A_372] {strides = array<i32>} : memref<248x128xi32, #tpu.memory_space<vmem>>, vector<16xi32>,
      tpu.vector_store %parallel_loop3A_370[%parallel_loop3A_371, %parallel_loop3A_372], %parallel_loop3A_366 {strides = array<i32>} : memref<248x128xi32, #tpu.memory_space<vmem>>, vector<16xi32>,
      %parallel_loop3A_374 = arith.constant 0 : i32
      %parallel_loop3A_375 = arith.constant 0 : i32
      %parallel_loop3A_376 = tpu.memref_slice %arg6[%parallel_loop3A_105, %parallel_loop3A_374, %parallel_loop3A_375] : memref<2x248x128xi32, #tpu.memory_space<vmem>> -> memref<1x248x128xi32, #tpu.memory_space<vmem>>
      %parallel_loop3A_377 = tpu.memref_squeeze %parallel_loop3A_376 : memref<1x248x128xi32, #tpu.memory_space<vmem>> -> memref<248x128xi32, #tpu.memory_space<vmem>>
      %parallel_loop3A_378 = arith.index_cast %parallel_loop3A_261 : i32 to index
      %parallel_loop3A_379 = arith.constant 112 : index
      %parallel_loop3A_380 = tpu.vector_load %parallel_loop3A_377[%parallel_loop3A_378, %parallel_loop3A_379] {strides = array<i32>} : memref<248x128xi32, #tpu.memory_space<vmem>>, vector<16xi32>,
      %parallel_loop3A_381 = tpu.memref_bitcast %arg5 : memref<1x119xi32, #tpu.memory_space<vmem>> -> memref<1x119xi32, #tpu.memory_space<vmem>>
      %parallel_loop3A_382 = tpu.vector_load_idx %parallel_loop3A_381[%broadcast_in_dim3A_1, %parallel_loop3A_380] : memref<1x119xi32, #tpu.memory_space<vmem>>[vector<16xi32>, vector<16xi32>], vector<16xi32>,
      %parallel_loop3A_383 = arith.constant 0 : i32
      %parallel_loop3A_384 = arith.constant 0 : i32
      %parallel_loop3A_385 = tpu.memref_slice %arg7[%parallel_loop3A_106, %parallel_loop3A_383, %parallel_loop3A_384] : memref<2x248x128xi32, #tpu.memory_space<vmem>> -> memref<1x248x128xi32, #tpu.memory_space<vmem>>
      %parallel_loop3A_386 = tpu.memref_squeeze %parallel_loop3A_385 : memref<1x248x128xi32, #tpu.memory_space<vmem>> -> memref<248x128xi32, #tpu.memory_space<vmem>>
      %parallel_loop3A_387 = arith.index_cast %parallel_loop3A_261 : i32 to index
      %parallel_loop3A_388 = arith.constant 112 : index
      %parallel_loop3A_389 = tpu.vector_load %parallel_loop3A_386[%parallel_loop3A_387, %parallel_loop3A_388] {strides = array<i32>} : memref<248x128xi32, #tpu.memory_space<vmem>>, vector<16xi32>,
      tpu.vector_store %parallel_loop3A_386[%parallel_loop3A_387, %parallel_loop3A_388], %parallel_loop3A_382 {strides = array<i32>} : memref<248x128xi32, #tpu.memory_space<vmem>>, vector<16xi32>,
    } {sc.loop_unroll_factor = 4 : i64, sc.parallel_access}
    %add3A_107 = arith.constant 248 : i32
    %add3A_108 = arith.addi %mul3A_3, %add3A_107 : i32
    %dma_start3A_109 = arith.constant 1 : i32
    %dma_start3A_110 = arith.constant 0 : i32
    %dma_start3A_111 = arith.constant 0 : i32
    %dma_start3A_112 = tpu.memref_slice %arg7[%dma_start3A_109, %dma_start3A_110, %dma_start3A_111] : memref<2x248x128xi32, #tpu.memory_space<vmem>> -> memref<1x248x128xi32, #tpu.memory_space<vmem>>
    %dma_start3A_113 = tpu.memref_squeeze %dma_start3A_112 : memref<1x248x128xi32, #tpu.memory_space<vmem>> -> memref<248x128xi32, #tpu.memory_space<vmem>>
    %dma_start3A_114 = arith.constant 0 : i32
    %dma_start3A_115 = tpu.memref_slice %arg4[%add3A_108, %dma_start3A_114] : memref<31744x128xi32, #tpu.memory_space<hbm>> -> memref<248x128xi32, #tpu.memory_space<hbm>>
    %dma_start3A_116 = arith.constant 0 : i32
    %dma_start3A_117 = tpu.memref_slice %arg4[%add3A_108, %dma_start3A_116] : memref<31744x128xi32, #tpu.memory_space<hbm>> -> memref<248x128xi32, #tpu.memory_space<hbm>>
    %dma_start3A_118 = arith.constant 0 : i32
    %dma_start3A_119 = arith.constant 0 : i32
    %dma_start3A_120 = tpu.memref_slice %arg7[%dma_start3A_109, %dma_start3A_118, %dma_start3A_119] : memref<2x248x128xi32, #tpu.memory_space<vmem>> -> memref<1x248x128xi32, #tpu.memory_space<vmem>>
    %dma_start3A_121 = tpu.memref_squeeze %dma_start3A_120 : memref<1x248x128xi32, #tpu.memory_space<vmem>> -> memref<248x128xi32, #tpu.memory_space<vmem>>
    tpu.enqueue_dma source(%dma_start3A_121 : memref<248x128xi32, #tpu.memory_space<vmem>>) target(%dma_start3A_117 : memref<248x128xi32, #tpu.memory_space<hbm>>) target_semaphore(%arg11 : memref<!tpu.dma_semaphore, #tpu.memory_space<semaphore_mem>>)
    %add3A_122 = arith.constant 744 : i32
    %add3A_123 = arith.addi %mul3A_3, %add3A_122 : i32
    %dma_start3A_124 = arith.constant 1 : i32
    %dma_start3A_125 = arith.constant 0 : i32
    %dma_start3A_126 = arith.constant 0 : i32
    %dma_start3A_127 = tpu.memref_slice %arg6[%dma_start3A_124, %dma_start3A_125, %dma_start3A_126] : memref<2x248x128xi32, #tpu.memory_space<vmem>> -> memref<1x248x128xi32, #tpu.memory_space<vmem>>
    %dma_start3A_128 = tpu.memref_squeeze %dma_start3A_127 : memref<1x248x128xi32, #tpu.memory_space<vmem>> -> memref<248x128xi32, #tpu.memory_space<vmem>>
    %dma_start3A_129 = tpu.memref_bitcast %arg2 : memref<31744x128xi32, #tpu.memory_space<hbm>> -> memref<31744x128xi32, #tpu.memory_space<hbm>>
    %dma_start3A_130 = arith.constant 0 : i32
    %dma_start3A_131 = tpu.memref_slice %dma_start3A_129[%add3A_123, %dma_start3A_130] : memref<31744x128xi32, #tpu.memory_space<hbm>> -> memref<248x128xi32, #tpu.memory_space<hbm>>
    %dma_start3A_132 = arith.constant 0 : i32
    %dma_start3A_133 = arith.constant 0 : i32
    %dma_start3A_134 = tpu.memref_slice %arg6[%dma_start3A_124, %dma_start3A_132, %dma_start3A_133] : memref<2x248x128xi32, #tpu.memory_space<vmem>> -> memref<1x248x128xi32, #tpu.memory_space<vmem>>
    %dma_start3A_135 = tpu.memref_squeeze %dma_start3A_134 : memref<1x248x128xi32, #tpu.memory_space<vmem>> -> memref<248x128xi32, #tpu.memory_space<vmem>>
    %dma_start3A_136 = tpu.memref_bitcast %arg2 : memref<31744x128xi32, #tpu.memory_space<hbm>> -> memref<31744x128xi32, #tpu.memory_space<hbm>>
    %dma_start3A_137 = arith.constant 0 : i32
    %dma_start3A_138 = tpu.memref_slice %dma_start3A_136[%add3A_123, %dma_start3A_137] : memref<31744x128xi32, #tpu.memory_space<hbm>> -> memref<248x128xi32, #tpu.memory_space<hbm>>
    tpu.enqueue_dma source(%dma_start3A_138 : memref<248x128xi32, #tpu.memory_space<hbm>>) target(%dma_start3A_135 : memref<248x128xi32, #tpu.memory_space<vmem>>) target_semaphore(%arg9 : memref<!tpu.dma_semaphore, #tpu.memory_space<semaphore_mem>>)
    %dma_wait3A_139 = arith.constant 0 : i32
    %dma_wait3A_140 = arith.constant 0 : i32
    %dma_wait3A_141 = arith.constant 0 : i32
    %dma_wait3A_142 = tpu.memref_slice %arg6[%dma_wait3A_139, %dma_wait3A_140, %dma_wait3A_141] : memref<2x248x128xi32, #tpu.memory_space<vmem>> -> memref<1x248x128xi32, #tpu.memory_space<vmem>>
    %dma_wait3A_143 = tpu.memref_squeeze %dma_wait3A_142 : memref<1x248x128xi32, #tpu.memory_space<vmem>> -> memref<248x128xi32, #tpu.memory_space<vmem>>
    %dma_wait3A_144 = tpu.memref_bitcast %arg2 : memref<31744x128xi32, #tpu.memory_space<hbm>> -> memref<31744x128xi32, #tpu.memory_space<hbm>>
    %dma_wait3A_145 = arith.constant 0 : i32
    %dma_wait3A_146 = tpu.memref_slice %dma_wait3A_144[%add3A_71, %dma_wait3A_145] : memref<31744x128xi32, #tpu.memory_space<hbm>> -> memref<248x128xi32, #tpu.memory_space<hbm>>
    %dma_wait3A_147 = arith.constant 0 : i32
    %dma_wait3A_148 = arith.constant 0 : i32
    %dma_wait3A_149 = tpu.memref_slice %arg6[%dma_wait3A_139, %dma_wait3A_147, %dma_wait3A_148] : memref<2x248x128xi32, #tpu.memory_space<vmem>> -> memref<1x248x128xi32, #tpu.memory_space<vmem>>
    %dma_wait3A_150 = tpu.memref_squeeze %dma_wait3A_149 : memref<1x248x128xi32, #tpu.memory_space<vmem>> -> memref<248x128xi32, #tpu.memory_space<vmem>>
    %dma_wait3A_151 = tpu.memref_bitcast %arg2 : memref<31744x128xi32, #tpu.memory_space<hbm>> -> memref<31744x128xi32, #tpu.memory_space<hbm>>
    %dma_wait3A_152 = arith.constant 0 : i32
    %dma_wait3A_153 = tpu.memref_slice %dma_wait3A_151[%add3A_71, %dma_wait3A_152] : memref<31744x128xi32, #tpu.memory_space<hbm>> -> memref<248x128xi32, #tpu.memory_space<hbm>>
    tpu.wait_dma2 semaphore(%arg8 : memref<!tpu.dma_semaphore, #tpu.memory_space<semaphore_mem>>) src(%dma_wait3A_153 : memref<248x128xi32, #tpu.memory_space<hbm>>) dst(%dma_wait3A_150 : memref<248x128xi32, #tpu.memory_space<vmem>>)
    %dma_wait3A_154 = arith.constant 0 : i32
    %dma_wait3A_155 = arith.constant 0 : i32
    %dma_wait3A_156 = arith.constant 0 : i32
    %dma_wait3A_157 = tpu.memref_slice %arg7[%dma_wait3A_154, %dma_wait3A_155, %dma_wait3A_156] : memref<2x248x128xi32, #tpu.memory_space<vmem>> -> memref<1x248x128xi32, #tpu.memory_space<vmem>>
    %dma_wait3A_158 = tpu.memref_squeeze %dma_wait3A_157 : memref<1x248x128xi32, #tpu.memory_space<vmem>> -> memref<248x128xi32, #tpu.memory_space<vmem>>
    %dma_wait3A_159 = arith.constant 0 : i32
    %dma_wait3A_160 = tpu.memref_slice %arg4[%add3A_56, %dma_wait3A_159] : memref<31744x128xi32, #tpu.memory_space<hbm>> -> memref<248x128xi32, #tpu.memory_space<hbm>>
    %dma_wait3A_161 = arith.constant 0 : i32
    %dma_wait3A_162 = tpu.memref_slice %arg4[%add3A_56, %dma_wait3A_161] : memref<31744x128xi32, #tpu.memory_space<hbm>> -> memref<248x128xi32, #tpu.memory_space<hbm>>
    %dma_wait3A_163 = arith.constant 0 : i32
    %dma_wait3A_164 = arith.constant 0 : i32
    %dma_wait3A_165 = tpu.memref_slice %arg7[%dma_wait3A_154, %dma_wait3A_163, %dma_wait3A_164] : memref<2x248x128xi32, #tpu.memory_space<vmem>> -> memref<1x248x128xi32, #tpu.memory_space<vmem>>
    %dma_wait3A_166 = tpu.memref_squeeze %dma_wait3A_165 : memref<1x248x128xi32, #tpu.memory_space<vmem>> -> memref<248x128xi32, #tpu.memory_space<vmem>>
    tpu.wait_dma2 semaphore(%arg10 : memref<!tpu.dma_semaphore, #tpu.memory_space<semaphore_mem>>) src(%dma_wait3A_166 : memref<248x128xi32, #tpu.memory_space<vmem>>) dst(%dma_wait3A_162 : memref<248x128xi32, #tpu.memory_space<hbm>>)
    %parallel_loop3A_167 = arith.constant 0 : i32
    %parallel_loop3A_168 = arith.constant 248 : i32
    %parallel_loop3A_169 = arith.constant 1 : i32
    %parallel_loop3A_170 = arith.constant 0 : i32
    %parallel_loop3A_171 = arith.constant 0 : i32
    scf.for %parallel_loop3A_261 = %parallel_loop3A_167 to %parallel_loop3A_168 step %parallel_loop3A_169  : i32 {
      %parallel_loop3A_262 = arith.constant 0 : i32
      %parallel_loop3A_263 = arith.constant 0 : i32
      %parallel_loop3A_264 = tpu.memref_slice %arg6[%parallel_loop3A_170, %parallel_loop3A_262, %parallel_loop3A_263] : memref<2x248x128xi32, #tpu.memory_space<vmem>> -> memref<1x248x128xi32, #tpu.memory_space<vmem>>
      %parallel_loop3A_265 = tpu.memref_squeeze %parallel_loop3A_264 : memref<1x248x128xi32, #tpu.memory_space<vmem>> -> memref<248x128xi32, #tpu.memory_space<vmem>>
      %parallel_loop3A_266 = arith.index_cast %parallel_loop3A_261 : i32 to index
      %parallel_loop3A_267 = arith.constant 0 : index
      %parallel_loop3A_268 = tpu.vector_load %parallel_loop3A_265[%parallel_loop3A_266, %parallel_loop3A_267] {strides = array<i32>} : memref<248x128xi32, #tpu.memory_space<vmem>>, vector<16xi32>,
      %parallel_loop3A_269 = tpu.memref_bitcast %arg5 : memref<1x119xi32, #tpu.memory_space<vmem>> -> memref<1x119xi32, #tpu.memory_space<vmem>>
      %parallel_loop3A_270 = tpu.vector_load_idx %parallel_loop3A_269[%broadcast_in_dim3A_1, %parallel_loop3A_268] : memref<1x119xi32, #tpu.memory_space<vmem>>[vector<16xi32>, vector<16xi32>], vector<16xi32>,
      %parallel_loop3A_271 = arith.constant 0 : i32
      %parallel_loop3A_272 = arith.constant 0 : i32
      %parallel_loop3A_273 = tpu.memref_slice %arg7[%parallel_loop3A_171, %parallel_loop3A_271, %parallel_loop3A_272] : memref<2x248x128xi32, #tpu.memory_space<vmem>> -> memref<1x248x128xi32, #tpu.memory_space<vmem>>
      %parallel_loop3A_274 = tpu.memref_squeeze %parallel_loop3A_273 : memref<1x248x128xi32, #tpu.memory_space<vmem>> -> memref<248x128xi32, #tpu.memory_space<vmem>>
      %parallel_loop3A_275 = arith.index_cast %parallel_loop3A_261 : i32 to index
      %parallel_loop3A_276 = arith.constant 0 : index
      %parallel_loop3A_277 = tpu.vector_load %parallel_loop3A_274[%parallel_loop3A_275, %parallel_loop3A_276] {strides = array<i32>} : memref<248x128xi32, #tpu.memory_space<vmem>>, vector<16xi32>,
      tpu.vector_store %parallel_loop3A_274[%parallel_loop3A_275, %parallel_loop3A_276], %parallel_loop3A_270 {strides = array<i32>} : memref<248x128xi32, #tpu.memory_space<vmem>>, vector<16xi32>,
      %parallel_loop3A_278 = arith.constant 0 : i32
      %parallel_loop3A_279 = arith.constant 0 : i32
      %parallel_loop3A_280 = tpu.memref_slice %arg6[%parallel_loop3A_170, %parallel_loop3A_278, %parallel_loop3A_279] : memref<2x248x128xi32, #tpu.memory_space<vmem>> -> memref<1x248x128xi32, #tpu.memory_space<vmem>>
      %parallel_loop3A_281 = tpu.memref_squeeze %parallel_loop3A_280 : memref<1x248x128xi32, #tpu.memory_space<vmem>> -> memref<248x128xi32, #tpu.memory_space<vmem>>
      %parallel_loop3A_282 = arith.index_cast %parallel_loop3A_261 : i32 to index
      %parallel_loop3A_283 = arith.constant 16 : index
      %parallel_loop3A_284 = tpu.vector_load %parallel_loop3A_281[%parallel_loop3A_282, %parallel_loop3A_283] {strides = array<i32>} : memref<248x128xi32, #tpu.memory_space<vmem>>, vector<16xi32>,
      %parallel_loop3A_285 = tpu.memref_bitcast %arg5 : memref<1x119xi32, #tpu.memory_space<vmem>> -> memref<1x119xi32, #tpu.memory_space<vmem>>
      %parallel_loop3A_286 = tpu.vector_load_idx %parallel_loop3A_285[%broadcast_in_dim3A_1, %parallel_loop3A_284] : memref<1x119xi32, #tpu.memory_space<vmem>>[vector<16xi32>, vector<16xi32>], vector<16xi32>,
      %parallel_loop3A_287 = arith.constant 0 : i32
      %parallel_loop3A_288 = arith.constant 0 : i32
      %parallel_loop3A_289 = tpu.memref_slice %arg7[%parallel_loop3A_171, %parallel_loop3A_287, %parallel_loop3A_288] : memref<2x248x128xi32, #tpu.memory_space<vmem>> -> memref<1x248x128xi32, #tpu.memory_space<vmem>>
      %parallel_loop3A_290 = tpu.memref_squeeze %parallel_loop3A_289 : memref<1x248x128xi32, #tpu.memory_space<vmem>> -> memref<248x128xi32, #tpu.memory_space<vmem>>
      %parallel_loop3A_291 = arith.index_cast %parallel_loop3A_261 : i32 to index
      %parallel_loop3A_292 = arith.constant 16 : index
      %parallel_loop3A_293 = tpu.vector_load %parallel_loop3A_290[%parallel_loop3A_291, %parallel_loop3A_292] {strides = array<i32>} : memref<248x128xi32, #tpu.memory_space<vmem>>, vector<16xi32>,
      tpu.vector_store %parallel_loop3A_290[%parallel_loop3A_291, %parallel_loop3A_292], %parallel_loop3A_286 {strides = array<i32>} : memref<248x128xi32, #tpu.memory_space<vmem>>, vector<16xi32>,
      %parallel_loop3A_294 = arith.constant 0 : i32
      %parallel_loop3A_295 = arith.constant 0 : i32
      %parallel_loop3A_296 = tpu.memref_slice %arg6[%parallel_loop3A_170, %parallel_loop3A_294, %parallel_loop3A_295] : memref<2x248x128xi32, #tpu.memory_space<vmem>> -> memref<1x248x128xi32, #tpu.memory_space<vmem>>
      %parallel_loop3A_297 = tpu.memref_squeeze %parallel_loop3A_296 : memref<1x248x128xi32, #tpu.memory_space<vmem>> -> memref<248x128xi32, #tpu.memory_space<vmem>>
      %parallel_loop3A_298 = arith.index_cast %parallel_loop3A_261 : i32 to index
      %parallel_loop3A_299 = arith.constant 32 : index
      %parallel_loop3A_300 = tpu.vector_load %parallel_loop3A_297[%parallel_loop3A_298, %parallel_loop3A_299] {strides = array<i32>} : memref<248x128xi32, #tpu.memory_space<vmem>>, vector<16xi32>,
      %parallel_loop3A_301 = tpu.memref_bitcast %arg5 : memref<1x119xi32, #tpu.memory_space<vmem>> -> memref<1x119xi32, #tpu.memory_space<vmem>>
      %parallel_loop3A_302 = tpu.vector_load_idx %parallel_loop3A_301[%broadcast_in_dim3A_1, %parallel_loop3A_300] : memref<1x119xi32, #tpu.memory_space<vmem>>[vector<16xi32>, vector<16xi32>], vector<16xi32>,
      %parallel_loop3A_303 = arith.constant 0 : i32
      %parallel_loop3A_304 = arith.constant 0 : i32
      %parallel_loop3A_305 = tpu.memref_slice %arg7[%parallel_loop3A_171, %parallel_loop3A_303, %parallel_loop3A_304] : memref<2x248x128xi32, #tpu.memory_space<vmem>> -> memref<1x248x128xi32, #tpu.memory_space<vmem>>
      %parallel_loop3A_306 = tpu.memref_squeeze %parallel_loop3A_305 : memref<1x248x128xi32, #tpu.memory_space<vmem>> -> memref<248x128xi32, #tpu.memory_space<vmem>>
      %parallel_loop3A_307 = arith.index_cast %parallel_loop3A_261 : i32 to index
      %parallel_loop3A_308 = arith.constant 32 : index
      %parallel_loop3A_309 = tpu.vector_load %parallel_loop3A_306[%parallel_loop3A_307, %parallel_loop3A_308] {strides = array<i32>} : memref<248x128xi32, #tpu.memory_space<vmem>>, vector<16xi32>,
      tpu.vector_store %parallel_loop3A_306[%parallel_loop3A_307, %parallel_loop3A_308], %parallel_loop3A_302 {strides = array<i32>} : memref<248x128xi32, #tpu.memory_space<vmem>>, vector<16xi32>,
      %parallel_loop3A_310 = arith.constant 0 : i32
      %parallel_loop3A_311 = arith.constant 0 : i32
      %parallel_loop3A_312 = tpu.memref_slice %arg6[%parallel_loop3A_170, %parallel_loop3A_310, %parallel_loop3A_311] : memref<2x248x128xi32, #tpu.memory_space<vmem>> -> memref<1x248x128xi32, #tpu.memory_space<vmem>>
      %parallel_loop3A_313 = tpu.memref_squeeze %parallel_loop3A_312 : memref<1x248x128xi32, #tpu.memory_space<vmem>> -> memref<248x128xi32, #tpu.memory_space<vmem>>
      %parallel_loop3A_314 = arith.index_cast %parallel_loop3A_261 : i32 to index
      %parallel_loop3A_315 = arith.constant 48 : index
      %parallel_loop3A_316 = tpu.vector_load %parallel_loop3A_313[%parallel_loop3A_314, %parallel_loop3A_315] {strides = array<i32>} : memref<248x128xi32, #tpu.memory_space<vmem>>, vector<16xi32>,
      %parallel_loop3A_317 = tpu.memref_bitcast %arg5 : memref<1x119xi32, #tpu.memory_space<vmem>> -> memref<1x119xi32, #tpu.memory_space<vmem>>
      %parallel_loop3A_318 = tpu.vector_load_idx %parallel_loop3A_317[%broadcast_in_dim3A_1, %parallel_loop3A_316] : memref<1x119xi32, #tpu.memory_space<vmem>>[vector<16xi32>, vector<16xi32>], vector<16xi32>,
      %parallel_loop3A_319 = arith.constant 0 : i32
      %parallel_loop3A_320 = arith.constant 0 : i32
      %parallel_loop3A_321 = tpu.memref_slice %arg7[%parallel_loop3A_171, %parallel_loop3A_319, %parallel_loop3A_320] : memref<2x248x128xi32, #tpu.memory_space<vmem>> -> memref<1x248x128xi32, #tpu.memory_space<vmem>>
      %parallel_loop3A_322 = tpu.memref_squeeze %parallel_loop3A_321 : memref<1x248x128xi32, #tpu.memory_space<vmem>> -> memref<248x128xi32, #tpu.memory_space<vmem>>
      %parallel_loop3A_323 = arith.index_cast %parallel_loop3A_261 : i32 to index
      %parallel_loop3A_324 = arith.constant 48 : index
      %parallel_loop3A_325 = tpu.vector_load %parallel_loop3A_322[%parallel_loop3A_323, %parallel_loop3A_324] {strides = array<i32>} : memref<248x128xi32, #tpu.memory_space<vmem>>, vector<16xi32>,
      tpu.vector_store %parallel_loop3A_322[%parallel_loop3A_323, %parallel_loop3A_324], %parallel_loop3A_318 {strides = array<i32>} : memref<248x128xi32, #tpu.memory_space<vmem>>, vector<16xi32>,
      %parallel_loop3A_326 = arith.constant 0 : i32
      %parallel_loop3A_327 = arith.constant 0 : i32
      %parallel_loop3A_328 = tpu.memref_slice %arg6[%parallel_loop3A_170, %parallel_loop3A_326, %parallel_loop3A_327] : memref<2x248x128xi32, #tpu.memory_space<vmem>> -> memref<1x248x128xi32, #tpu.memory_space<vmem>>
      %parallel_loop3A_329 = tpu.memref_squeeze %parallel_loop3A_328 : memref<1x248x128xi32, #tpu.memory_space<vmem>> -> memref<248x128xi32, #tpu.memory_space<vmem>>
      %parallel_loop3A_330 = arith.index_cast %parallel_loop3A_261 : i32 to index
      %parallel_loop3A_331 = arith.constant 64 : index
      %parallel_loop3A_332 = tpu.vector_load %parallel_loop3A_329[%parallel_loop3A_330, %parallel_loop3A_331] {strides = array<i32>} : memref<248x128xi32, #tpu.memory_space<vmem>>, vector<16xi32>,
      %parallel_loop3A_333 = tpu.memref_bitcast %arg5 : memref<1x119xi32, #tpu.memory_space<vmem>> -> memref<1x119xi32, #tpu.memory_space<vmem>>
      %parallel_loop3A_334 = tpu.vector_load_idx %parallel_loop3A_333[%broadcast_in_dim3A_1, %parallel_loop3A_332] : memref<1x119xi32, #tpu.memory_space<vmem>>[vector<16xi32>, vector<16xi32>], vector<16xi32>,
      %parallel_loop3A_335 = arith.constant 0 : i32
      %parallel_loop3A_336 = arith.constant 0 : i32
      %parallel_loop3A_337 = tpu.memref_slice %arg7[%parallel_loop3A_171, %parallel_loop3A_335, %parallel_loop3A_336] : memref<2x248x128xi32, #tpu.memory_space<vmem>> -> memref<1x248x128xi32, #tpu.memory_space<vmem>>
      %parallel_loop3A_338 = tpu.memref_squeeze %parallel_loop3A_337 : memref<1x248x128xi32, #tpu.memory_space<vmem>> -> memref<248x128xi32, #tpu.memory_space<vmem>>
      %parallel_loop3A_339 = arith.index_cast %parallel_loop3A_261 : i32 to index
      %parallel_loop3A_340 = arith.constant 64 : index
      %parallel_loop3A_341 = tpu.vector_load %parallel_loop3A_338[%parallel_loop3A_339, %parallel_loop3A_340] {strides = array<i32>} : memref<248x128xi32, #tpu.memory_space<vmem>>, vector<16xi32>,
      tpu.vector_store %parallel_loop3A_338[%parallel_loop3A_339, %parallel_loop3A_340], %parallel_loop3A_334 {strides = array<i32>} : memref<248x128xi32, #tpu.memory_space<vmem>>, vector<16xi32>,
      %parallel_loop3A_342 = arith.constant 0 : i32
      %parallel_loop3A_343 = arith.constant 0 : i32
      %parallel_loop3A_344 = tpu.memref_slice %arg6[%parallel_loop3A_170, %parallel_loop3A_342, %parallel_loop3A_343] : memref<2x248x128xi32, #tpu.memory_space<vmem>> -> memref<1x248x128xi32, #tpu.memory_space<vmem>>
      %parallel_loop3A_345 = tpu.memref_squeeze %parallel_loop3A_344 : memref<1x248x128xi32, #tpu.memory_space<vmem>> -> memref<248x128xi32, #tpu.memory_space<vmem>>
      %parallel_loop3A_346 = arith.index_cast %parallel_loop3A_261 : i32 to index
      %parallel_loop3A_347 = arith.constant 80 : index
      %parallel_loop3A_348 = tpu.vector_load %parallel_loop3A_345[%parallel_loop3A_346, %parallel_loop3A_347] {strides = array<i32>} : memref<248x128xi32, #tpu.memory_space<vmem>>, vector<16xi32>,
      %parallel_loop3A_349 = tpu.memref_bitcast %arg5 : memref<1x119xi32, #tpu.memory_space<vmem>> -> memref<1x119xi32, #tpu.memory_space<vmem>>
      %parallel_loop3A_350 = tpu.vector_load_idx %parallel_loop3A_349[%broadcast_in_dim3A_1, %parallel_loop3A_348] : memref<1x119xi32, #tpu.memory_space<vmem>>[vector<16xi32>, vector<16xi32>], vector<16xi32>,
      %parallel_loop3A_351 = arith.constant 0 : i32
      %parallel_loop3A_352 = arith.constant 0 : i32
      %parallel_loop3A_353 = tpu.memref_slice %arg7[%parallel_loop3A_171, %parallel_loop3A_351, %parallel_loop3A_352] : memref<2x248x128xi32, #tpu.memory_space<vmem>> -> memref<1x248x128xi32, #tpu.memory_space<vmem>>
      %parallel_loop3A_354 = tpu.memref_squeeze %parallel_loop3A_353 : memref<1x248x128xi32, #tpu.memory_space<vmem>> -> memref<248x128xi32, #tpu.memory_space<vmem>>
      %parallel_loop3A_355 = arith.index_cast %parallel_loop3A_261 : i32 to index
      %parallel_loop3A_356 = arith.constant 80 : index
      %parallel_loop3A_357 = tpu.vector_load %parallel_loop3A_354[%parallel_loop3A_355, %parallel_loop3A_356] {strides = array<i32>} : memref<248x128xi32, #tpu.memory_space<vmem>>, vector<16xi32>,
      tpu.vector_store %parallel_loop3A_354[%parallel_loop3A_355, %parallel_loop3A_356], %parallel_loop3A_350 {strides = array<i32>} : memref<248x128xi32, #tpu.memory_space<vmem>>, vector<16xi32>,
      %parallel_loop3A_358 = arith.constant 0 : i32
      %parallel_loop3A_359 = arith.constant 0 : i32
      %parallel_loop3A_360 = tpu.memref_slice %arg6[%parallel_loop3A_170, %parallel_loop3A_358, %parallel_loop3A_359] : memref<2x248x128xi32, #tpu.memory_space<vmem>> -> memref<1x248x128xi32, #tpu.memory_space<vmem>>
      %parallel_loop3A_361 = tpu.memref_squeeze %parallel_loop3A_360 : memref<1x248x128xi32, #tpu.memory_space<vmem>> -> memref<248x128xi32, #tpu.memory_space<vmem>>
      %parallel_loop3A_362 = arith.index_cast %parallel_loop3A_261 : i32 to index
      %parallel_loop3A_363 = arith.constant 96 : index
      %parallel_loop3A_364 = tpu.vector_load %parallel_loop3A_361[%parallel_loop3A_362, %parallel_loop3A_363] {strides = array<i32>} : memref<248x128xi32, #tpu.memory_space<vmem>>, vector<16xi32>,
      %parallel_loop3A_365 = tpu.memref_bitcast %arg5 : memref<1x119xi32, #tpu.memory_space<vmem>> -> memref<1x119xi32, #tpu.memory_space<vmem>>
      %parallel_loop3A_366 = tpu.vector_load_idx %parallel_loop3A_365[%broadcast_in_dim3A_1, %parallel_loop3A_364] : memref<1x119xi32, #tpu.memory_space<vmem>>[vector<16xi32>, vector<16xi32>], vector<16xi32>,
      %parallel_loop3A_367 = arith.constant 0 : i32
      %parallel_loop3A_368 = arith.constant 0 : i32
      %parallel_loop3A_369 = tpu.memref_slice %arg7[%parallel_loop3A_171, %parallel_loop3A_367, %parallel_loop3A_368] : memref<2x248x128xi32, #tpu.memory_space<vmem>> -> memref<1x248x128xi32, #tpu.memory_space<vmem>>
      %parallel_loop3A_370 = tpu.memref_squeeze %parallel_loop3A_369 : memref<1x248x128xi32, #tpu.memory_space<vmem>> -> memref<248x128xi32, #tpu.memory_space<vmem>>
      %parallel_loop3A_371 = arith.index_cast %parallel_loop3A_261 : i32 to index
      %parallel_loop3A_372 = arith.constant 96 : index
      %parallel_loop3A_373 = tpu.vector_load %parallel_loop3A_370[%parallel_loop3A_371, %parallel_loop3A_372] {strides = array<i32>} : memref<248x128xi32, #tpu.memory_space<vmem>>, vector<16xi32>,
      tpu.vector_store %parallel_loop3A_370[%parallel_loop3A_371, %parallel_loop3A_372], %parallel_loop3A_366 {strides = array<i32>} : memref<248x128xi32, #tpu.memory_space<vmem>>, vector<16xi32>,
      %parallel_loop3A_374 = arith.constant 0 : i32
      %parallel_loop3A_375 = arith.constant 0 : i32
      %parallel_loop3A_376 = tpu.memref_slice %arg6[%parallel_loop3A_170, %parallel_loop3A_374, %parallel_loop3A_375] : memref<2x248x128xi32, #tpu.memory_space<vmem>> -> memref<1x248x128xi32, #tpu.memory_space<vmem>>
      %parallel_loop3A_377 = tpu.memref_squeeze %parallel_loop3A_376 : memref<1x248x128xi32, #tpu.memory_space<vmem>> -> memref<248x128xi32, #tpu.memory_space<vmem>>
      %parallel_loop3A_378 = arith.index_cast %parallel_loop3A_261 : i32 to index
      %parallel_loop3A_379 = arith.constant 112 : index
      %parallel_loop3A_380 = tpu.vector_load %parallel_loop3A_377[%parallel_loop3A_378, %parallel_loop3A_379] {strides = array<i32>} : memref<248x128xi32, #tpu.memory_space<vmem>>, vector<16xi32>,
      %parallel_loop3A_381 = tpu.memref_bitcast %arg5 : memref<1x119xi32, #tpu.memory_space<vmem>> -> memref<1x119xi32, #tpu.memory_space<vmem>>
      %parallel_loop3A_382 = tpu.vector_load_idx %parallel_loop3A_381[%broadcast_in_dim3A_1, %parallel_loop3A_380] : memref<1x119xi32, #tpu.memory_space<vmem>>[vector<16xi32>, vector<16xi32>], vector<16xi32>,
      %parallel_loop3A_383 = arith.constant 0 : i32
      %parallel_loop3A_384 = arith.constant 0 : i32
      %parallel_loop3A_385 = tpu.memref_slice %arg7[%parallel_loop3A_171, %parallel_loop3A_383, %parallel_loop3A_384] : memref<2x248x128xi32, #tpu.memory_space<vmem>> -> memref<1x248x128xi32, #tpu.memory_space<vmem>>
      %parallel_loop3A_386 = tpu.memref_squeeze %parallel_loop3A_385 : memref<1x248x128xi32, #tpu.memory_space<vmem>> -> memref<248x128xi32, #tpu.memory_space<vmem>>
      %parallel_loop3A_387 = arith.index_cast %parallel_loop3A_261 : i32 to index
      %parallel_loop3A_388 = arith.constant 112 : index
      %parallel_loop3A_389 = tpu.vector_load %parallel_loop3A_386[%parallel_loop3A_387, %parallel_loop3A_388] {strides = array<i32>} : memref<248x128xi32, #tpu.memory_space<vmem>>, vector<16xi32>,
      tpu.vector_store %parallel_loop3A_386[%parallel_loop3A_387, %parallel_loop3A_388], %parallel_loop3A_382 {strides = array<i32>} : memref<248x128xi32, #tpu.memory_space<vmem>>, vector<16xi32>,
    } {sc.loop_unroll_factor = 4 : i64, sc.parallel_access}
    %add3A_172 = arith.constant 496 : i32
    %add3A_173 = arith.addi %mul3A_3, %add3A_172 : i32
    %dma_start3A_174 = arith.constant 0 : i32
    %dma_start3A_175 = arith.constant 0 : i32
    %dma_start3A_176 = arith.constant 0 : i32
    %dma_start3A_177 = tpu.memref_slice %arg7[%dma_start3A_174, %dma_start3A_175, %dma_start3A_176] : memref<2x248x128xi32, #tpu.memory_space<vmem>> -> memref<1x248x128xi32, #tpu.memory_space<vmem>>
    %dma_start3A_178 = tpu.memref_squeeze %dma_start3A_177 : memref<1x248x128xi32, #tpu.memory_space<vmem>> -> memref<248x128xi32, #tpu.memory_space<vmem>>
    %dma_start3A_179 = arith.constant 0 : i32
    %dma_start3A_180 = tpu.memref_slice %arg4[%add3A_173, %dma_start3A_179] : memref<31744x128xi32, #tpu.memory_space<hbm>> -> memref<248x128xi32, #tpu.memory_space<hbm>>
    %dma_start3A_181 = arith.constant 0 : i32
    %dma_start3A_182 = tpu.memref_slice %arg4[%add3A_173, %dma_start3A_181] : memref<31744x128xi32, #tpu.memory_space<hbm>> -> memref<248x128xi32, #tpu.memory_space<hbm>>
    %dma_start3A_183 = arith.constant 0 : i32
    %dma_start3A_184 = arith.constant 0 : i32
    %dma_start3A_185 = tpu.memref_slice %arg7[%dma_start3A_174, %dma_start3A_183, %dma_start3A_184] : memref<2x248x128xi32, #tpu.memory_space<vmem>> -> memref<1x248x128xi32, #tpu.memory_space<vmem>>
    %dma_start3A_186 = tpu.memref_squeeze %dma_start3A_185 : memref<1x248x128xi32, #tpu.memory_space<vmem>> -> memref<248x128xi32, #tpu.memory_space<vmem>>
    tpu.enqueue_dma source(%dma_start3A_186 : memref<248x128xi32, #tpu.memory_space<vmem>>) target(%dma_start3A_182 : memref<248x128xi32, #tpu.memory_space<hbm>>) target_semaphore(%arg10 : memref<!tpu.dma_semaphore, #tpu.memory_space<semaphore_mem>>)
    %dma_wait3A_187 = arith.constant 1 : i32
    %dma_wait3A_188 = arith.constant 0 : i32
    %dma_wait3A_189 = arith.constant 0 : i32
    %dma_wait3A_190 = tpu.memref_slice %arg6[%dma_wait3A_187, %dma_wait3A_188, %dma_wait3A_189] : memref<2x248x128xi32, #tpu.memory_space<vmem>> -> memref<1x248x128xi32, #tpu.memory_space<vmem>>
    %dma_wait3A_191 = tpu.memref_squeeze %dma_wait3A_190 : memref<1x248x128xi32, #tpu.memory_space<vmem>> -> memref<248x128xi32, #tpu.memory_space<vmem>>
    %dma_wait3A_192 = tpu.memref_bitcast %arg2 : memref<31744x128xi32, #tpu.memory_space<hbm>> -> memref<31744x128xi32, #tpu.memory_space<hbm>>
    %dma_wait3A_193 = arith.constant 0 : i32
    %dma_wait3A_194 = tpu.memref_slice %dma_wait3A_192[%add3A_123, %dma_wait3A_193] : memref<31744x128xi32, #tpu.memory_space<hbm>> -> memref<248x128xi32, #tpu.memory_space<hbm>>
    %dma_wait3A_195 = arith.constant 0 : i32
    %dma_wait3A_196 = arith.constant 0 : i32
    %dma_wait3A_197 = tpu.memref_slice %arg6[%dma_wait3A_187, %dma_wait3A_195, %dma_wait3A_196] : memref<2x248x128xi32, #tpu.memory_space<vmem>> -> memref<1x248x128xi32, #tpu.memory_space<vmem>>
    %dma_wait3A_198 = tpu.memref_squeeze %dma_wait3A_197 : memref<1x248x128xi32, #tpu.memory_space<vmem>> -> memref<248x128xi32, #tpu.memory_space<vmem>>
    %dma_wait3A_199 = tpu.memref_bitcast %arg2 : memref<31744x128xi32, #tpu.memory_space<hbm>> -> memref<31744x128xi32, #tpu.memory_space<hbm>>
    %dma_wait3A_200 = arith.constant 0 : i32
    %dma_wait3A_201 = tpu.memref_slice %dma_wait3A_199[%add3A_123, %dma_wait3A_200] : memref<31744x128xi32, #tpu.memory_space<hbm>> -> memref<248x128xi32, #tpu.memory_space<hbm>>
    tpu.wait_dma2 semaphore(%arg9 : memref<!tpu.dma_semaphore, #tpu.memory_space<semaphore_mem>>) src(%dma_wait3A_201 : memref<248x128xi32, #tpu.memory_space<hbm>>) dst(%dma_wait3A_198 : memref<248x128xi32, #tpu.memory_space<vmem>>)
    %dma_wait3A_202 = arith.constant 1 : i32
    %dma_wait3A_203 = arith.constant 0 : i32
    %dma_wait3A_204 = arith.constant 0 : i32
    %dma_wait3A_205 = tpu.memref_slice %arg7[%dma_wait3A_202, %dma_wait3A_203, %dma_wait3A_204] : memref<2x248x128xi32, #tpu.memory_space<vmem>> -> memref<1x248x128xi32, #tpu.memory_space<vmem>>
    %dma_wait3A_206 = tpu.memref_squeeze %dma_wait3A_205 : memref<1x248x128xi32, #tpu.memory_space<vmem>> -> memref<248x128xi32, #tpu.memory_space<vmem>>
    %dma_wait3A_207 = arith.constant 0 : i32
    %dma_wait3A_208 = tpu.memref_slice %arg4[%add3A_108, %dma_wait3A_207] : memref<31744x128xi32, #tpu.memory_space<hbm>> -> memref<248x128xi32, #tpu.memory_space<hbm>>
    %dma_wait3A_209 = arith.constant 0 : i32
    %dma_wait3A_210 = tpu.memref_slice %arg4[%add3A_108, %dma_wait3A_209] : memref<31744x128xi32, #tpu.memory_space<hbm>> -> memref<248x128xi32, #tpu.memory_space<hbm>>
    %dma_wait3A_211 = arith.constant 0 : i32
    %dma_wait3A_212 = arith.constant 0 : i32
    %dma_wait3A_213 = tpu.memref_slice %arg7[%dma_wait3A_202, %dma_wait3A_211, %dma_wait3A_212] : memref<2x248x128xi32, #tpu.memory_space<vmem>> -> memref<1x248x128xi32, #tpu.memory_space<vmem>>
    %dma_wait3A_214 = tpu.memref_squeeze %dma_wait3A_213 : memref<1x248x128xi32, #tpu.memory_space<vmem>> -> memref<248x128xi32, #tpu.memory_space<vmem>>
    tpu.wait_dma2 semaphore(%arg11 : memref<!tpu.dma_semaphore, #tpu.memory_space<semaphore_mem>>) src(%dma_wait3A_214 : memref<248x128xi32, #tpu.memory_space<vmem>>) dst(%dma_wait3A_210 : memref<248x128xi32, #tpu.memory_space<hbm>>)
    %parallel_loop3A_215 = arith.constant 0 : i32
    %parallel_loop3A_216 = arith.constant 248 : i32
    %parallel_loop3A_217 = arith.constant 1 : i32
    %parallel_loop3A_218 = arith.constant 1 : i32
    %parallel_loop3A_219 = arith.constant 1 : i32
    scf.for %parallel_loop3A_261 = %parallel_loop3A_215 to %parallel_loop3A_216 step %parallel_loop3A_217  : i32 {
      %parallel_loop3A_262 = arith.constant 0 : i32
      %parallel_loop3A_263 = arith.constant 0 : i32
      %parallel_loop3A_264 = tpu.memref_slice %arg6[%parallel_loop3A_218, %parallel_loop3A_262, %parallel_loop3A_263] : memref<2x248x128xi32, #tpu.memory_space<vmem>> -> memref<1x248x128xi32, #tpu.memory_space<vmem>>
      %parallel_loop3A_265 = tpu.memref_squeeze %parallel_loop3A_264 : memref<1x248x128xi32, #tpu.memory_space<vmem>> -> memref<248x128xi32, #tpu.memory_space<vmem>>
      %parallel_loop3A_266 = arith.index_cast %parallel_loop3A_261 : i32 to index
      %parallel_loop3A_267 = arith.constant 0 : index
      %parallel_loop3A_268 = tpu.vector_load %parallel_loop3A_265[%parallel_loop3A_266, %parallel_loop3A_267] {strides = array<i32>} : memref<248x128xi32, #tpu.memory_space<vmem>>, vector<16xi32>,
      %parallel_loop3A_269 = tpu.memref_bitcast %arg5 : memref<1x119xi32, #tpu.memory_space<vmem>> -> memref<1x119xi32, #tpu.memory_space<vmem>>
      %parallel_loop3A_270 = tpu.vector_load_idx %parallel_loop3A_269[%broadcast_in_dim3A_1, %parallel_loop3A_268] : memref<1x119xi32, #tpu.memory_space<vmem>>[vector<16xi32>, vector<16xi32>], vector<16xi32>,
      %parallel_loop3A_271 = arith.constant 0 : i32
      %parallel_loop3A_272 = arith.constant 0 : i32
      %parallel_loop3A_273 = tpu.memref_slice %arg7[%parallel_loop3A_219, %parallel_loop3A_271, %parallel_loop3A_272] : memref<2x248x128xi32, #tpu.memory_space<vmem>> -> memref<1x248x128xi32, #tpu.memory_space<vmem>>
      %parallel_loop3A_274 = tpu.memref_squeeze %parallel_loop3A_273 : memref<1x248x128xi32, #tpu.memory_space<vmem>> -> memref<248x128xi32, #tpu.memory_space<vmem>>
      %parallel_loop3A_275 = arith.index_cast %parallel_loop3A_261 : i32 to index
      %parallel_loop3A_276 = arith.constant 0 : index
      %parallel_loop3A_277 = tpu.vector_load %parallel_loop3A_274[%parallel_loop3A_275, %parallel_loop3A_276] {strides = array<i32>} : memref<248x128xi32, #tpu.memory_space<vmem>>, vector<16xi32>,
      tpu.vector_store %parallel_loop3A_274[%parallel_loop3A_275, %parallel_loop3A_276], %parallel_loop3A_270 {strides = array<i32>} : memref<248x128xi32, #tpu.memory_space<vmem>>, vector<16xi32>,
      %parallel_loop3A_278 = arith.constant 0 : i32
      %parallel_loop3A_279 = arith.constant 0 : i32
      %parallel_loop3A_280 = tpu.memref_slice %arg6[%parallel_loop3A_218, %parallel_loop3A_278, %parallel_loop3A_279] : memref<2x248x128xi32, #tpu.memory_space<vmem>> -> memref<1x248x128xi32, #tpu.memory_space<vmem>>
      %parallel_loop3A_281 = tpu.memref_squeeze %parallel_loop3A_280 : memref<1x248x128xi32, #tpu.memory_space<vmem>> -> memref<248x128xi32, #tpu.memory_space<vmem>>
      %parallel_loop3A_282 = arith.index_cast %parallel_loop3A_261 : i32 to index
      %parallel_loop3A_283 = arith.constant 16 : index
      %parallel_loop3A_284 = tpu.vector_load %parallel_loop3A_281[%parallel_loop3A_282, %parallel_loop3A_283] {strides = array<i32>} : memref<248x128xi32, #tpu.memory_space<vmem>>, vector<16xi32>,
      %parallel_loop3A_285 = tpu.memref_bitcast %arg5 : memref<1x119xi32, #tpu.memory_space<vmem>> -> memref<1x119xi32, #tpu.memory_space<vmem>>
      %parallel_loop3A_286 = tpu.vector_load_idx %parallel_loop3A_285[%broadcast_in_dim3A_1, %parallel_loop3A_284] : memref<1x119xi32, #tpu.memory_space<vmem>>[vector<16xi32>, vector<16xi32>], vector<16xi32>,
      %parallel_loop3A_287 = arith.constant 0 : i32
      %parallel_loop3A_288 = arith.constant 0 : i32
      %parallel_loop3A_289 = tpu.memref_slice %arg7[%parallel_loop3A_219, %parallel_loop3A_287, %parallel_loop3A_288] : memref<2x248x128xi32, #tpu.memory_space<vmem>> -> memref<1x248x128xi32, #tpu.memory_space<vmem>>
      %parallel_loop3A_290 = tpu.memref_squeeze %parallel_loop3A_289 : memref<1x248x128xi32, #tpu.memory_space<vmem>> -> memref<248x128xi32, #tpu.memory_space<vmem>>
      %parallel_loop3A_291 = arith.index_cast %parallel_loop3A_261 : i32 to index
      %parallel_loop3A_292 = arith.constant 16 : index
      %parallel_loop3A_293 = tpu.vector_load %parallel_loop3A_290[%parallel_loop3A_291, %parallel_loop3A_292] {strides = array<i32>} : memref<248x128xi32, #tpu.memory_space<vmem>>, vector<16xi32>,
      tpu.vector_store %parallel_loop3A_290[%parallel_loop3A_291, %parallel_loop3A_292], %parallel_loop3A_286 {strides = array<i32>} : memref<248x128xi32, #tpu.memory_space<vmem>>, vector<16xi32>,
      %parallel_loop3A_294 = arith.constant 0 : i32
      %parallel_loop3A_295 = arith.constant 0 : i32
      %parallel_loop3A_296 = tpu.memref_slice %arg6[%parallel_loop3A_218, %parallel_loop3A_294, %parallel_loop3A_295] : memref<2x248x128xi32, #tpu.memory_space<vmem>> -> memref<1x248x128xi32, #tpu.memory_space<vmem>>
      %parallel_loop3A_297 = tpu.memref_squeeze %parallel_loop3A_296 : memref<1x248x128xi32, #tpu.memory_space<vmem>> -> memref<248x128xi32, #tpu.memory_space<vmem>>
      %parallel_loop3A_298 = arith.index_cast %parallel_loop3A_261 : i32 to index
      %parallel_loop3A_299 = arith.constant 32 : index
      %parallel_loop3A_300 = tpu.vector_load %parallel_loop3A_297[%parallel_loop3A_298, %parallel_loop3A_299] {strides = array<i32>} : memref<248x128xi32, #tpu.memory_space<vmem>>, vector<16xi32>,
      %parallel_loop3A_301 = tpu.memref_bitcast %arg5 : memref<1x119xi32, #tpu.memory_space<vmem>> -> memref<1x119xi32, #tpu.memory_space<vmem>>
      %parallel_loop3A_302 = tpu.vector_load_idx %parallel_loop3A_301[%broadcast_in_dim3A_1, %parallel_loop3A_300] : memref<1x119xi32, #tpu.memory_space<vmem>>[vector<16xi32>, vector<16xi32>], vector<16xi32>,
      %parallel_loop3A_303 = arith.constant 0 : i32
      %parallel_loop3A_304 = arith.constant 0 : i32
      %parallel_loop3A_305 = tpu.memref_slice %arg7[%parallel_loop3A_219, %parallel_loop3A_303, %parallel_loop3A_304] : memref<2x248x128xi32, #tpu.memory_space<vmem>> -> memref<1x248x128xi32, #tpu.memory_space<vmem>>
      %parallel_loop3A_306 = tpu.memref_squeeze %parallel_loop3A_305 : memref<1x248x128xi32, #tpu.memory_space<vmem>> -> memref<248x128xi32, #tpu.memory_space<vmem>>
      %parallel_loop3A_307 = arith.index_cast %parallel_loop3A_261 : i32 to index
      %parallel_loop3A_308 = arith.constant 32 : index
      %parallel_loop3A_309 = tpu.vector_load %parallel_loop3A_306[%parallel_loop3A_307, %parallel_loop3A_308] {strides = array<i32>} : memref<248x128xi32, #tpu.memory_space<vmem>>, vector<16xi32>,
      tpu.vector_store %parallel_loop3A_306[%parallel_loop3A_307, %parallel_loop3A_308], %parallel_loop3A_302 {strides = array<i32>} : memref<248x128xi32, #tpu.memory_space<vmem>>, vector<16xi32>,
      %parallel_loop3A_310 = arith.constant 0 : i32
      %parallel_loop3A_311 = arith.constant 0 : i32
      %parallel_loop3A_312 = tpu.memref_slice %arg6[%parallel_loop3A_218, %parallel_loop3A_310, %parallel_loop3A_311] : memref<2x248x128xi32, #tpu.memory_space<vmem>> -> memref<1x248x128xi32, #tpu.memory_space<vmem>>
      %parallel_loop3A_313 = tpu.memref_squeeze %parallel_loop3A_312 : memref<1x248x128xi32, #tpu.memory_space<vmem>> -> memref<248x128xi32, #tpu.memory_space<vmem>>
      %parallel_loop3A_314 = arith.index_cast %parallel_loop3A_261 : i32 to index
      %parallel_loop3A_315 = arith.constant 48 : index
      %parallel_loop3A_316 = tpu.vector_load %parallel_loop3A_313[%parallel_loop3A_314, %parallel_loop3A_315] {strides = array<i32>} : memref<248x128xi32, #tpu.memory_space<vmem>>, vector<16xi32>,
      %parallel_loop3A_317 = tpu.memref_bitcast %arg5 : memref<1x119xi32, #tpu.memory_space<vmem>> -> memref<1x119xi32, #tpu.memory_space<vmem>>
      %parallel_loop3A_318 = tpu.vector_load_idx %parallel_loop3A_317[%broadcast_in_dim3A_1, %parallel_loop3A_316] : memref<1x119xi32, #tpu.memory_space<vmem>>[vector<16xi32>, vector<16xi32>], vector<16xi32>,
      %parallel_loop3A_319 = arith.constant 0 : i32
      %parallel_loop3A_320 = arith.constant 0 : i32
      %parallel_loop3A_321 = tpu.memref_slice %arg7[%parallel_loop3A_219, %parallel_loop3A_319, %parallel_loop3A_320] : memref<2x248x128xi32, #tpu.memory_space<vmem>> -> memref<1x248x128xi32, #tpu.memory_space<vmem>>
      %parallel_loop3A_322 = tpu.memref_squeeze %parallel_loop3A_321 : memref<1x248x128xi32, #tpu.memory_space<vmem>> -> memref<248x128xi32, #tpu.memory_space<vmem>>
      %parallel_loop3A_323 = arith.index_cast %parallel_loop3A_261 : i32 to index
      %parallel_loop3A_324 = arith.constant 48 : index
      %parallel_loop3A_325 = tpu.vector_load %parallel_loop3A_322[%parallel_loop3A_323, %parallel_loop3A_324] {strides = array<i32>} : memref<248x128xi32, #tpu.memory_space<vmem>>, vector<16xi32>,
      tpu.vector_store %parallel_loop3A_322[%parallel_loop3A_323, %parallel_loop3A_324], %parallel_loop3A_318 {strides = array<i32>} : memref<248x128xi32, #tpu.memory_space<vmem>>, vector<16xi32>,
      %parallel_loop3A_326 = arith.constant 0 : i32
      %parallel_loop3A_327 = arith.constant 0 : i32
      %parallel_loop3A_328 = tpu.memref_slice %arg6[%parallel_loop3A_218, %parallel_loop3A_326, %parallel_loop3A_327] : memref<2x248x128xi32, #tpu.memory_space<vmem>> -> memref<1x248x128xi32, #tpu.memory_space<vmem>>
      %parallel_loop3A_329 = tpu.memref_squeeze %parallel_loop3A_328 : memref<1x248x128xi32, #tpu.memory_space<vmem>> -> memref<248x128xi32, #tpu.memory_space<vmem>>
      %parallel_loop3A_330 = arith.index_cast %parallel_loop3A_261 : i32 to index
      %parallel_loop3A_331 = arith.constant 64 : index
      %parallel_loop3A_332 = tpu.vector_load %parallel_loop3A_329[%parallel_loop3A_330, %parallel_loop3A_331] {strides = array<i32>} : memref<248x128xi32, #tpu.memory_space<vmem>>, vector<16xi32>,
      %parallel_loop3A_333 = tpu.memref_bitcast %arg5 : memref<1x119xi32, #tpu.memory_space<vmem>> -> memref<1x119xi32, #tpu.memory_space<vmem>>
      %parallel_loop3A_334 = tpu.vector_load_idx %parallel_loop3A_333[%broadcast_in_dim3A_1, %parallel_loop3A_332] : memref<1x119xi32, #tpu.memory_space<vmem>>[vector<16xi32>, vector<16xi32>], vector<16xi32>,
      %parallel_loop3A_335 = arith.constant 0 : i32
      %parallel_loop3A_336 = arith.constant 0 : i32
      %parallel_loop3A_337 = tpu.memref_slice %arg7[%parallel_loop3A_219, %parallel_loop3A_335, %parallel_loop3A_336] : memref<2x248x128xi32, #tpu.memory_space<vmem>> -> memref<1x248x128xi32, #tpu.memory_space<vmem>>
      %parallel_loop3A_338 = tpu.memref_squeeze %parallel_loop3A_337 : memref<1x248x128xi32, #tpu.memory_space<vmem>> -> memref<248x128xi32, #tpu.memory_space<vmem>>
      %parallel_loop3A_339 = arith.index_cast %parallel_loop3A_261 : i32 to index
      %parallel_loop3A_340 = arith.constant 64 : index
      %parallel_loop3A_341 = tpu.vector_load %parallel_loop3A_338[%parallel_loop3A_339, %parallel_loop3A_340] {strides = array<i32>} : memref<248x128xi32, #tpu.memory_space<vmem>>, vector<16xi32>,
      tpu.vector_store %parallel_loop3A_338[%parallel_loop3A_339, %parallel_loop3A_340], %parallel_loop3A_334 {strides = array<i32>} : memref<248x128xi32, #tpu.memory_space<vmem>>, vector<16xi32>,
      %parallel_loop3A_342 = arith.constant 0 : i32
      %parallel_loop3A_343 = arith.constant 0 : i32
      %parallel_loop3A_344 = tpu.memref_slice %arg6[%parallel_loop3A_218, %parallel_loop3A_342, %parallel_loop3A_343] : memref<2x248x128xi32, #tpu.memory_space<vmem>> -> memref<1x248x128xi32, #tpu.memory_space<vmem>>
      %parallel_loop3A_345 = tpu.memref_squeeze %parallel_loop3A_344 : memref<1x248x128xi32, #tpu.memory_space<vmem>> -> memref<248x128xi32, #tpu.memory_space<vmem>>
      %parallel_loop3A_346 = arith.index_cast %parallel_loop3A_261 : i32 to index
      %parallel_loop3A_347 = arith.constant 80 : index
      %parallel_loop3A_348 = tpu.vector_load %parallel_loop3A_345[%parallel_loop3A_346, %parallel_loop3A_347] {strides = array<i32>} : memref<248x128xi32, #tpu.memory_space<vmem>>, vector<16xi32>,
      %parallel_loop3A_349 = tpu.memref_bitcast %arg5 : memref<1x119xi32, #tpu.memory_space<vmem>> -> memref<1x119xi32, #tpu.memory_space<vmem>>
      %parallel_loop3A_350 = tpu.vector_load_idx %parallel_loop3A_349[%broadcast_in_dim3A_1, %parallel_loop3A_348] : memref<1x119xi32, #tpu.memory_space<vmem>>[vector<16xi32>, vector<16xi32>], vector<16xi32>,
      %parallel_loop3A_351 = arith.constant 0 : i32
      %parallel_loop3A_352 = arith.constant 0 : i32
      %parallel_loop3A_353 = tpu.memref_slice %arg7[%parallel_loop3A_219, %parallel_loop3A_351, %parallel_loop3A_352] : memref<2x248x128xi32, #tpu.memory_space<vmem>> -> memref<1x248x128xi32, #tpu.memory_space<vmem>>
      %parallel_loop3A_354 = tpu.memref_squeeze %parallel_loop3A_353 : memref<1x248x128xi32, #tpu.memory_space<vmem>> -> memref<248x128xi32, #tpu.memory_space<vmem>>
      %parallel_loop3A_355 = arith.index_cast %parallel_loop3A_261 : i32 to index
      %parallel_loop3A_356 = arith.constant 80 : index
      %parallel_loop3A_357 = tpu.vector_load %parallel_loop3A_354[%parallel_loop3A_355, %parallel_loop3A_356] {strides = array<i32>} : memref<248x128xi32, #tpu.memory_space<vmem>>, vector<16xi32>,
      tpu.vector_store %parallel_loop3A_354[%parallel_loop3A_355, %parallel_loop3A_356], %parallel_loop3A_350 {strides = array<i32>} : memref<248x128xi32, #tpu.memory_space<vmem>>, vector<16xi32>,
      %parallel_loop3A_358 = arith.constant 0 : i32
      %parallel_loop3A_359 = arith.constant 0 : i32
      %parallel_loop3A_360 = tpu.memref_slice %arg6[%parallel_loop3A_218, %parallel_loop3A_358, %parallel_loop3A_359] : memref<2x248x128xi32, #tpu.memory_space<vmem>> -> memref<1x248x128xi32, #tpu.memory_space<vmem>>
      %parallel_loop3A_361 = tpu.memref_squeeze %parallel_loop3A_360 : memref<1x248x128xi32, #tpu.memory_space<vmem>> -> memref<248x128xi32, #tpu.memory_space<vmem>>
      %parallel_loop3A_362 = arith.index_cast %parallel_loop3A_261 : i32 to index
      %parallel_loop3A_363 = arith.constant 96 : index
      %parallel_loop3A_364 = tpu.vector_load %parallel_loop3A_361[%parallel_loop3A_362, %parallel_loop3A_363] {strides = array<i32>} : memref<248x128xi32, #tpu.memory_space<vmem>>, vector<16xi32>,
      %parallel_loop3A_365 = tpu.memref_bitcast %arg5 : memref<1x119xi32, #tpu.memory_space<vmem>> -> memref<1x119xi32, #tpu.memory_space<vmem>>
      %parallel_loop3A_366 = tpu.vector_load_idx %parallel_loop3A_365[%broadcast_in_dim3A_1, %parallel_loop3A_364] : memref<1x119xi32, #tpu.memory_space<vmem>>[vector<16xi32>, vector<16xi32>], vector<16xi32>,
      %parallel_loop3A_367 = arith.constant 0 : i32
      %parallel_loop3A_368 = arith.constant 0 : i32
      %parallel_loop3A_369 = tpu.memref_slice %arg7[%parallel_loop3A_219, %parallel_loop3A_367, %parallel_loop3A_368] : memref<2x248x128xi32, #tpu.memory_space<vmem>> -> memref<1x248x128xi32, #tpu.memory_space<vmem>>
      %parallel_loop3A_370 = tpu.memref_squeeze %parallel_loop3A_369 : memref<1x248x128xi32, #tpu.memory_space<vmem>> -> memref<248x128xi32, #tpu.memory_space<vmem>>
      %parallel_loop3A_371 = arith.index_cast %parallel_loop3A_261 : i32 to index
      %parallel_loop3A_372 = arith.constant 96 : index
      %parallel_loop3A_373 = tpu.vector_load %parallel_loop3A_370[%parallel_loop3A_371, %parallel_loop3A_372] {strides = array<i32>} : memref<248x128xi32, #tpu.memory_space<vmem>>, vector<16xi32>,
      tpu.vector_store %parallel_loop3A_370[%parallel_loop3A_371, %parallel_loop3A_372], %parallel_loop3A_366 {strides = array<i32>} : memref<248x128xi32, #tpu.memory_space<vmem>>, vector<16xi32>,
      %parallel_loop3A_374 = arith.constant 0 : i32
      %parallel_loop3A_375 = arith.constant 0 : i32
      %parallel_loop3A_376 = tpu.memref_slice %arg6[%parallel_loop3A_218, %parallel_loop3A_374, %parallel_loop3A_375] : memref<2x248x128xi32, #tpu.memory_space<vmem>> -> memref<1x248x128xi32, #tpu.memory_space<vmem>>
      %parallel_loop3A_377 = tpu.memref_squeeze %parallel_loop3A_376 : memref<1x248x128xi32, #tpu.memory_space<vmem>> -> memref<248x128xi32, #tpu.memory_space<vmem>>
      %parallel_loop3A_378 = arith.index_cast %parallel_loop3A_261 : i32 to index
      %parallel_loop3A_379 = arith.constant 112 : index
      %parallel_loop3A_380 = tpu.vector_load %parallel_loop3A_377[%parallel_loop3A_378, %parallel_loop3A_379] {strides = array<i32>} : memref<248x128xi32, #tpu.memory_space<vmem>>, vector<16xi32>,
      %parallel_loop3A_381 = tpu.memref_bitcast %arg5 : memref<1x119xi32, #tpu.memory_space<vmem>> -> memref<1x119xi32, #tpu.memory_space<vmem>>
      %parallel_loop3A_382 = tpu.vector_load_idx %parallel_loop3A_381[%broadcast_in_dim3A_1, %parallel_loop3A_380] : memref<1x119xi32, #tpu.memory_space<vmem>>[vector<16xi32>, vector<16xi32>], vector<16xi32>,
      %parallel_loop3A_383 = arith.constant 0 : i32
      %parallel_loop3A_384 = arith.constant 0 : i32
      %parallel_loop3A_385 = tpu.memref_slice %arg7[%parallel_loop3A_219, %parallel_loop3A_383, %parallel_loop3A_384] : memref<2x248x128xi32, #tpu.memory_space<vmem>> -> memref<1x248x128xi32, #tpu.memory_space<vmem>>
      %parallel_loop3A_386 = tpu.memref_squeeze %parallel_loop3A_385 : memref<1x248x128xi32, #tpu.memory_space<vmem>> -> memref<248x128xi32, #tpu.memory_space<vmem>>
      %parallel_loop3A_387 = arith.index_cast %parallel_loop3A_261 : i32 to index
      %parallel_loop3A_388 = arith.constant 112 : index
      %parallel_loop3A_389 = tpu.vector_load %parallel_loop3A_386[%parallel_loop3A_387, %parallel_loop3A_388] {strides = array<i32>} : memref<248x128xi32, #tpu.memory_space<vmem>>, vector<16xi32>,
      tpu.vector_store %parallel_loop3A_386[%parallel_loop3A_387, %parallel_loop3A_388], %parallel_loop3A_382 {strides = array<i32>} : memref<248x128xi32, #tpu.memory_space<vmem>>, vector<16xi32>,
    } {sc.loop_unroll_factor = 4 : i64, sc.parallel_access}
    %add3A_220 = arith.constant 744 : i32
    %add3A_221 = arith.addi %mul3A_3, %add3A_220 : i32
    %dma_start3A_222 = arith.constant 1 : i32
    %dma_start3A_223 = arith.constant 0 : i32
    %dma_start3A_224 = arith.constant 0 : i32
    %dma_start3A_225 = tpu.memref_slice %arg7[%dma_start3A_222, %dma_start3A_223, %dma_start3A_224] : memref<2x248x128xi32, #tpu.memory_space<vmem>> -> memref<1x248x128xi32, #tpu.memory_space<vmem>>
    %dma_start3A_226 = tpu.memref_squeeze %dma_start3A_225 : memref<1x248x128xi32, #tpu.memory_space<vmem>> -> memref<248x128xi32, #tpu.memory_space<vmem>>
    %dma_start3A_227 = arith.constant 0 : i32
    %dma_start3A_228 = tpu.memref_slice %arg4[%add3A_221, %dma_start3A_227] : memref<31744x128xi32, #tpu.memory_space<hbm>> -> memref<248x128xi32, #tpu.memory_space<hbm>>
    %dma_start3A_229 = arith.constant 0 : i32
    %dma_start3A_230 = tpu.memref_slice %arg4[%add3A_221, %dma_start3A_229] : memref<31744x128xi32, #tpu.memory_space<hbm>> -> memref<248x128xi32, #tpu.memory_space<hbm>>
    %dma_start3A_231 = arith.constant 0 : i32
    %dma_start3A_232 = arith.constant 0 : i32
    %dma_start3A_233 = tpu.memref_slice %arg7[%dma_start3A_222, %dma_start3A_231, %dma_start3A_232] : memref<2x248x128xi32, #tpu.memory_space<vmem>> -> memref<1x248x128xi32, #tpu.memory_space<vmem>>
    %dma_start3A_234 = tpu.memref_squeeze %dma_start3A_233 : memref<1x248x128xi32, #tpu.memory_space<vmem>> -> memref<248x128xi32, #tpu.memory_space<vmem>>
    tpu.enqueue_dma source(%dma_start3A_234 : memref<248x128xi32, #tpu.memory_space<vmem>>) target(%dma_start3A_230 : memref<248x128xi32, #tpu.memory_space<hbm>>) target_semaphore(%arg11 : memref<!tpu.dma_semaphore, #tpu.memory_space<semaphore_mem>>)
    %dma_wait3A_235 = arith.constant 0 : i32
    %dma_wait3A_236 = arith.constant 0 : i32
    %dma_wait3A_237 = arith.constant 0 : i32
    %dma_wait3A_238 = tpu.memref_slice %arg7[%dma_wait3A_235, %dma_wait3A_236, %dma_wait3A_237] : memref<2x248x128xi32, #tpu.memory_space<vmem>> -> memref<1x248x128xi32, #tpu.memory_space<vmem>>
    %dma_wait3A_239 = tpu.memref_squeeze %dma_wait3A_238 : memref<1x248x128xi32, #tpu.memory_space<vmem>> -> memref<248x128xi32, #tpu.memory_space<vmem>>
    %dma_wait3A_240 = arith.constant 0 : i32
    %dma_wait3A_241 = tpu.memref_slice %arg4[%add3A_173, %dma_wait3A_240] : memref<31744x128xi32, #tpu.memory_space<hbm>> -> memref<248x128xi32, #tpu.memory_space<hbm>>
    %dma_wait3A_242 = arith.constant 0 : i32
    %dma_wait3A_243 = tpu.memref_slice %arg4[%add3A_173, %dma_wait3A_242] : memref<31744x128xi32, #tpu.memory_space<hbm>> -> memref<248x128xi32, #tpu.memory_space<hbm>>
    %dma_wait3A_244 = arith.constant 0 : i32
    %dma_wait3A_245 = arith.constant 0 : i32
    %dma_wait3A_246 = tpu.memref_slice %arg7[%dma_wait3A_235, %dma_wait3A_244, %dma_wait3A_245] : memref<2x248x128xi32, #tpu.memory_space<vmem>> -> memref<1x248x128xi32, #tpu.memory_space<vmem>>
    %dma_wait3A_247 = tpu.memref_squeeze %dma_wait3A_246 : memref<1x248x128xi32, #tpu.memory_space<vmem>> -> memref<248x128xi32, #tpu.memory_space<vmem>>
    tpu.wait_dma2 semaphore(%arg10 : memref<!tpu.dma_semaphore, #tpu.memory_space<semaphore_mem>>) src(%dma_wait3A_247 : memref<248x128xi32, #tpu.memory_space<vmem>>) dst(%dma_wait3A_243 : memref<248x128xi32, #tpu.memory_space<hbm>>)
    %dma_wait3A_248 = arith.constant 1 : i32
    %dma_wait3A_249 = arith.constant 0 : i32
    %dma_wait3A_250 = arith.constant 0 : i32
    %dma_wait3A_251 = tpu.memref_slice %arg7[%dma_wait3A_248, %dma_wait3A_249, %dma_wait3A_250] : memref<2x248x128xi32, #tpu.memory_space<vmem>> -> memref<1x248x128xi32, #tpu.memory_space<vmem>>
    %dma_wait3A_252 = tpu.memref_squeeze %dma_wait3A_251 : memref<1x248x128xi32, #tpu.memory_space<vmem>> -> memref<248x128xi32, #tpu.memory_space<vmem>>
    %dma_wait3A_253 = arith.constant 0 : i32
    %dma_wait3A_254 = tpu.memref_slice %arg4[%add3A_221, %dma_wait3A_253] : memref<31744x128xi32, #tpu.memory_space<hbm>> -> memref<248x128xi32, #tpu.memory_space<hbm>>
    %dma_wait3A_255 = arith.constant 0 : i32
    %dma_wait3A_256 = tpu.memref_slice %arg4[%add3A_221, %dma_wait3A_255] : memref<31744x128xi32, #tpu.memory_space<hbm>> -> memref<248x128xi32, #tpu.memory_space<hbm>>
    %dma_wait3A_257 = arith.constant 0 : i32
    %dma_wait3A_258 = arith.constant 0 : i32
    %dma_wait3A_259 = tpu.memref_slice %arg7[%dma_wait3A_248, %dma_wait3A_257, %dma_wait3A_258] : memref<2x248x128xi32, #tpu.memory_space<vmem>> -> memref<1x248x128xi32, #tpu.memory_space<vmem>>
    %dma_wait3A_260 = tpu.memref_squeeze %dma_wait3A_259 : memref<1x248x128xi32, #tpu.memory_space<vmem>> -> memref<248x128xi32, #tpu.memory_space<vmem>>
    tpu.wait_dma2 semaphore(%arg11 : memref<!tpu.dma_semaphore, #tpu.memory_space<semaphore_mem>>) src(%dma_wait3A_260 : memref<248x128xi32, #tpu.memory_space<vmem>>) dst(%dma_wait3A_256 : memref<248x128xi32, #tpu.memory_space<hbm>>)
    return
  }
}

</mosaic_0001>

<sc_bundles>
// kernel: kernel.3.cloned.1.call-start
scs
__scs_entry_jumppad:
0x0: {  	(pc) =	sbr.rel $0x88, $3  }
0x1: {  	(tag) =	ssettag $0x0;
	lr =	simm.s32 $0x1  }
0x2: {  	[smem:$0x3F9F] =	sst lr;
	_ =	strace $0xD0000000  }
0x3: {  	_ = 	snop  }
0x4: {  	_ = 	snop  }
0x5: {  	_ = 	snop  }
0x6: {  	_ = 	snop  }
0x7: {  	_ = 	snop  }
__scs_overlays_trampoline_lowered:
0x8: {  	[smem:$0x3FAE] =	sst s0  }
0x9: {  	[smem:$0x3FAF] =	sst s1  }
0xa: {  	[smem:$0x3FB0] =	sst s2  }
0xb: {  	[smem:$0x3FB1] =	sst s3  }
0xc: {  	[smem:$0x3FB2] =	sst s4  }
0xd: {  	[smem:$0x3FB3] =	sst s5  }
0xe: {  	[smem:$0x3FB4] =	sst s6  }
0xf: {  	[smem:$0x3FB5] =	sst s7  }
0x10: {  	[smem:$0x3FB6] =	sst s8  }
0x11: {  	[smem:$0x3FB7] =	sst s9;
	s0 =	simm.s32 @!p0 $0x0  }
0x12: {  	s1 =	sld [smem:$0x3F9D];
	s0 =	simm.s32 @p0 $0x1  }
0x13: {  	[smem:$0x3FB8] =	sst s0;
	s0 =	simm.s32 @!p1 $0x0  }
0x14: {  	s2 =	sld [smem:$0x3F9C];
	s0 =	simm.s32 @p1 $0x1  }
0x15: {  	[smem:$0x3FB9] =	sst s0;
	s0 =	simm.s32 @!p2 $0x0  }
0x16: {  	s3 =	sld [smem:$0x3FDB];
	s0 =	simm.s32 @p2 $0x1  }
0x17: {  	s4 =	simm.s32 $0x1BF5;
	[smem:$0x3FBB] =	sst s0  }
0x18: {  	s0 =	sld [smem:$0x3F9E];
	_ =	swait.ge [sflag:s4], $0x0  }
0x19: {  	s7 =	sld [smem:$0x3F9F]  }
0x1a: {  	s8 =	sadd.s32 $0xFFFFE003, lr  }
0x1b: {  	s9 =	sadd.s32 $0xFFFFFEF7, lr;
	s5 =	simm.s32 $0xFFFFFFFF;
	p2 =	slt.u32 s8, $0xFFFFF086  }
0x1c: {  	p1 =	slt.u32 s9, $0xF7A;
	s5 =	simm.s32 @!p2 $0x0  }
0x1d: {  	s5 =	simm.s32 @p1 $0x1;
	p0 =	seq.s32 s7, s2  }
0x1e: {  	s7 =	smul.u32 @!p0 $0xF7A, s2;
	p2 =	seq.s32 @!p0 s5, $0x0  }
0x1f: {  	s9 =	smul.u32 $0xF7A, s1;
	s8 =	simm.s32 @!p0 $0x1BF5;
	p2 =	por !p2, p0  }
0x20: {  	[sflag:s8] =	ssyncset.s32 @!p0 $0xFFFFF086;
	s6 =	sadd.s32 @!p0 s3, s7;
	s7 =	simm.s32 @!p0 $0x108  }
0x21: {  	s3 =	sadd.s32 s3, s9;
	s6 =	sadd.s32 @!p0 $0x88, s6;
	s7 =	simm.s32 @p2 $0x1082  }
0x22: {  	[simem:s7], [sflag:s8] =	dma.local @!p0 [hbm:s6], $0xF7A  }
0x23: {  	s9 =	sor.u32 $0xD0000000, s2;
	s6 =	simm.s32 $0x108;
	_ =	swait.ge @!p0 [sflag:s8], $0x0  }
0x24: {  	s3 =	sadd.s32 $0x88, s3;
	s6 =	simm.s32 @!p1 $0x1082;
	[sflag:s4] =	ssyncset.s32 $0xFFFFF086  }
0x25: {  	[simem:s6], [sflag:s4] =	dma.local [hbm:s3], $0xF7A  }
0x26: {  	[smem:$0x3F9F] =	sst s1;
	(tag) =	ssettag s2;
	_ =	strace s9  }
0x27: {  	s1 =	sld [smem:$0x3FAF]  }
0x28: {  	s2 =	sld [smem:$0x3FB0]  }
0x29: {  	s4 =	sld [smem:$0x3FB2]  }
0x2a: {  	p0 =	seq.s32 s5, $0x0;
	s5 =	sld [smem:$0x3FB3]  }
0x2b: {  	s6 =	sld [smem:$0x3FB4]  }
0x2c: {  	s7 =	sld [smem:$0x3FB5]  }
0x2d: {  	s3 =	simm.s32 $0x108;
	s8 =	sld [smem:$0x3FB6]  }
0x2e: {  	s3 =	simm.s32 @!p0 $0x1082;
	s9 =	sld [smem:$0x3FB7]  }
0x2f: {  	lr =	sadd.s32 s0, s3;
	s0 =	sld [smem:$0x3FAE]  }
0x30: {  	s3 =	sld [smem:$0x3FB1]  }
0x31: {  	[smem:$0x3FBA] =	sst s10  }
0x32: {  	s10 =	sld [smem:$0x3FB8];
	_ =	sdelay $0x3  }
0x33: {  	p0 =	seq.s32 s10, $0x1;
	s10 =	sld [smem:$0x3FBA];
	_ =	sdelay $0x3  }
0x34: {  	[smem:$0x3FBA] =	sst s10  }
0x35: {  	s10 =	sld [smem:$0x3FB9];
	_ =	sdelay $0x3  }
0x36: {  	p1 =	seq.s32 s10, $0x1;
	s10 =	sld [smem:$0x3FBA];
	_ =	sdelay $0x3  }
0x37: {  	[smem:$0x3FBA] =	sst s10  }
0x38: {  	s10 =	sld [smem:$0x3FBB]  }
0x39: {  	_ = 	snop;
	(pc) =	sbr.ind lr, $3  }
0x3a: {  	_ = 	snop  }
0x3b: {  	_ = 	snop  }
0x3c: {  	p2 =	seq.s32 s10, $0x1;
	s10 =	sld [smem:$0x3FBA]  }
0x3d: {  	_ =	shalt  }
0x3e: {  	_ =	shalt  }
0x3f: {  	_ =	shalt  }
0x40: {  	_ =	shalt  }
0x41: {  	_ =	shalt  }
0x42: {  	_ =	shalt  }
0x43: {  	_ =	shalt  }
0x44: {  	_ =	shalt  }
0x45: {  	_ =	shalt  }
0x46: {  	_ =	shalt  }
0x47: {  	_ =	shalt  }
0x48: {  	_ =	shalt  }
0x49: {  	_ =	shalt  }
0x4a: {  	_ =	shalt  }
0x4b: {  	_ =	shalt  }
0x4c: {  	_ =	shalt  }
0x4d: {  	_ =	shalt  }
0x4e: {  	_ =	shalt  }
0x4f: {  	_ =	shalt  }
0x50: {  	_ =	shalt  }
0x51: {  	_ =	shalt  }
0x52: {  	_ =	shalt  }
0x53: {  	_ =	shalt  }
0x54: {  	_ =	shalt  }
0x55: {  	_ =	shalt  }
0x56: {  	_ =	shalt  }
0x57: {  	_ =	shalt  }
0x58: {  	_ =	shalt  }
0x59: {  	_ =	shalt  }
0x5a: {  	_ =	shalt  }
0x5b: {  	_ =	shalt  }
0x5c: {  	_ =	shalt  }
0x5d: {  	_ =	shalt  }
0x5e: {  	_ =	shalt  }
0x5f: {  	_ =	shalt  }
0x60: {  	_ =	shalt  }
0x61: {  	_ =	shalt  }
0x62: {  	_ =	shalt  }
0x63: {  	_ =	shalt  }
0x64: {  	_ =	shalt  }
0x65: {  	_ =	shalt  }
0x66: {  	_ =	shalt  }
0x67: {  	_ =	shalt  }
0x68: {  	_ =	shalt  }
0x69: {  	_ =	shalt  }
0x6a: {  	_ =	shalt  }
0x6b: {  	_ =	shalt  }
0x6c: {  	_ =	shalt  }
0x6d: {  	_ =	shalt  }
0x6e: {  	_ =	shalt  }
0x6f: {  	_ =	shalt  }
0x70: {  	_ =	shalt  }
0x71: {  	_ =	shalt  }
0x72: {  	_ =	shalt  }
0x73: {  	_ =	shalt  }
0x74: {  	_ =	shalt  }
0x75: {  	_ =	shalt  }
0x76: {  	_ =	shalt  }
0x77: {  	_ =	shalt  }
0x78: {  	_ =	shalt  }
0x79: {  	_ =	shalt  }
0x7a: {  	_ =	shalt  }
0x7b: {  	_ =	shalt  }
0x7c: {  	_ =	shalt  }
0x7d: {  	_ =	shalt  }
0x7e: {  	_ =	shalt  }
0x7f: {  	_ =	shalt  }
0x80: {  	_ =	shalt  }
0x81: {  	_ =	shalt  }
0x82: {  	_ =	shalt  }
0x83: {  	_ =	shalt  }
0x84: {  	_ =	shalt  }
0x85: {  	_ =	shalt  }
0x86: {  	_ =	shalt  }
0x87: {  	_ =	shalt  }
.Lfunc_end0:
.L_simem_size_0:
called_computation_lowered:
.L_overlay_start_0:
0x88: {  	s2 =	sld [smem:$0x3FD9]  }
0x89: {  	s3 =	sld [smem:$0x3FFE];
	_ =	sdelay $0x1  }
0x8a: {  	s1 =	srdreg.scid  }
0x8b: {  	s0 =	sand.u32 $0x1, s1  }
0x8c: {  	s17 =	sshll.u32 s0, $0xA;
	s2 =	sadd.s32 s3, s2  }
0x8d: {  	s2 =	sadd.s32 s2, s17  }
0x8e: {  	[smem:$0x3FC6] =	sst s2  }
0x8f: {  	_ = 	snop  }
0x90: {  	s2 =	sld [smem:$0x3FD0];
	(tm) =	ssettm $0x1  }
0x91: {  	s18 =	sld [smem:$0x3FFB];
	_ =	sdelay $0x3  }
0x92: {  	_ =	strace s18  }
0x93: {  	s3 =	sld [smem:$0x3FFC];
	_ =	sdelay $0x3  }
0x94: {  	_ =	strace s3  }
0x95: {  	s3 =	sld [smem:$0x3FFD];
	_ =	sdelay $0x3  }
0x96: {  	_ =	strace s3  }
0x97: {  	_ =	strace $0x8FFFFFFF  }
0x98: {  	s19 =	sld [smem:$0x3FDB];
	_ =	sdelay $0x1  }
0x99: {  	s4 =	simm.s32 $_scs_section_size  }
0x9a: {  	s5 =	simm.s32 $_size__tile_overlayer_lowered;
	s6 =	simm.s32 $_tile_overlayer_lowered  }
0x9b: {  	s22 =	simm.s32 $0x1BFF;
	s21 =	sshll.u32 s6, $0x1;
	s3 =	sadd.s32 s4, s19  }
0x9c: {  	s7 =	simm.s32 $0x0;
	s20 =	sshll.u32 s5, $0x1;
	s5 =	sadd.s32 s21, s3  }
0x9d: {  	[timem:s7], [sflag:s22] =	dma.local [hbm:s5], s20  }
0x9e: {  	_ =	swait.ge [sflag:s22], s20  }
0x9f: {  	s4 =	ssub.s32 $0x0, s20;
	[sflag:s22] =	ssyncset.done $0x0  }
0xa0: {  	[sflag:s22] =	ssyncadd.s32 s4;
	_ =	sdelay $0x1  }
0xa1: {  	s23 =	simm.s32 $0x1B8B  }
0xa2: {  	_ =	swait.ge [sflag:s23], $0x1  }
0xa3: {  	[sflag:s23] =	ssyncset.done $0x0  }
0xa4: {  	s25 =	simm.s32 $0x1B8E;
	s24 =	sld [smem:$0x3FFE];
	[sflag:s23] =	ssyncadd.s32 $0xFFFFFFFF  }
0xa5: {  	s26 =	simm.s32 $execute0_lowered;
	[smem:$0x3FD2] =	sst s25  }
0xa6: {  	s5 =	sshll.u32 s26, $0x1;
	_ =	strace $0x80000046;
	[dreg:$0x1] =	wrdreg $0xFFFFFFFF  }
0xa7: {  	s28 =	simm.s32 $_size_execute0_lowered;
	s3 =	sadd.s32 s3, s5;
	[dreg:$0x0] =	wrdreg $0x0  }
0xa8: {  	s5 =	sshll.u32 s28, $0x1;
	[dreg:$0x2] =	wrdreg s3  }
0xa9: {  	[dreg:$0x3] =	wrdreg s5  }
0xaa: {  	[dreg:$0x4] =	wrdreg $0xC0  }
0xab: {  	_ =	task [dreg:s7], $0x5FFFF  }
0xac: {  	[dreg:$0x1] =	wrdreg $0xFFFFFFFF  }
0xad: {  	[dreg:$0x0] =	wrdreg $0x60  }
0xae: {  	[dreg:$0x2] =	wrdreg s2  }
0xaf: {  	[dreg:$0x3] =	wrdreg s24  }
0xb0: {  	[dreg:$0x4] =	wrdreg $0x9  }
0xb1: {  	_ =	task.clear_ibuf [dreg:s7], $0x5FFFF;
	_ =	strace $0x90000046  }
0xb2: {  	s29 =	simm.s32 $0x9;
	_ =	strace $0x80000048  }
0xb3: {  	_ =	swait.ge [sflag:s29], $0x1  }
0xb4: {  	[sflag:s29] =	ssyncadd.s32 $0xFFFFFFFF  }
0xb5: {  	_ =	strace $0x90000048  }
0xb6: {  	_ =	sfence  }
0xb7: {  	s30 =	sld [smem:$0x0];
	_ =	sdelay $0x2  }
0xb8: {  	s31 =	sshll.u32 s1, $0xD;
	s1 =	sshrl.u32 s1, $0x2  }
0xb9: {  	s3 =	sand.u32 $0x4000, s31;
	s1 =	sadd.s32 s1, s30  }
0xba: {  	s0 =	sor.u32 s3, s0;
	s1 =	sshll.u32 s1, $0x11  }
0xbb: {  	s0 =	sor.u32 s1, s0  }
0xbc: {  	s0 =	sadd.s32 $0x8F2B, s0  }
0xbd: {  	[sflag:s0] =	ssyncadd.remote.s32 $0x1  }
0xbe: {  	_ =	sfence.sel $0xFFFF  }
0xbf: {  	[dreg:$0x0] =	wrdreg $0xFFFFFFFF;
	(pc) =	sbr.abs _section_cstart, $3  }
0xc0: {  	[dreg:$0x1] =	wrdreg $0xFFFFFFFF  }
0xc1: {  	_ =	task.clear_ibuf [dreg:s7], $0x2FFFF;
	_ =	strace $0x9FFFFFFF  }
0xc2: {  	(tm) =	ssettm $0x7FFFFFFF  }
0xc3: {  	_ =	shalt  }
tec
execute0_lowered:
.L_overlay_start_1:
0x0: {  	(tag) =	ssettag $0x1  }
0x1: {  	s9 =	rddreg [dreg:$0x0];
	s1 =	srdreg.scid  }
0x2: {  	s0 =	stileid.u32;
	s4 =	rddreg [dreg:$0x1];
	s2 =	simm.s32 $0x0  }
0x3: {  	s15 =	simm.s32 $0x7C80;
	s16 =	simm.s32 $0x1;
	s17 =	simm.s32 $0xF880  }
0x4: {  	s18 =	simm.s32 $0x2;
	s19 =	simm.s32 $0x17480;
	s20 =	simm.s32 $0x3  }
0x5: {  	s21 =	simm.s32 $0x4;
	s5 =	sand.u32 $0x1, s1;
	s3 =	sshll.u32 s0, $0x1  }
0x6: {  	s22 =	simm.s32 $0x0;
	s1 =	rddreg [dreg:$0x2];
	s6 =	sor.u32 s5, s3  }
0x7: {  	[smem:$0x7FF] =	sst s2;
	s5 =	ssub.s32 $0x2, s5;
	s7 =	smul.u32 $0x1F000, s6  }
0x8: {  	s11 =	sadd.s32 $0x800, s4;
	s8 =	sshrl.u32 s5, $0x1;
	s6 =	smul.u32 $0x3E00, s6  }
0x9: {  	_ =	strace $0x80000047;
	s3 =	sadd.s32 $0x600, s4;
	s12 =	ssub.s32 s5, s8  }
0xa: {  	s10 =	sshrl.u32 s7, $0x3;
	s4 =	sadd.s32 s9, s6;
	s6 =	sadd.s32 s11, s6  }
0xb: {  	s12 =	smax.u32 s12, $0x1;
	s31 =	sadd.s32 $0xF80, s10;
	s13 =	sadd.s32 $0x1F00, s10  }
0xc: {  	s14 =	sadd.s32 $0x2E80, s10;
	s5 =	sadd.s32 s9, s31;
	s7 =	sadd.s32 s9, s13  }
0xd: {  	s8 =	sadd.s32 s11, s31;
	s9 =	sadd.s32 s9, s14;
	s10 =	sadd.s32 s11, s13  }
0xe: {  	s11 =	sadd.s32 s11, s14;
	s13 =	simm.s32 $0x5;
	s14 =	simm.s32 $0x80  }
.LBB2_1:
0xf: {  	[tilespmem:s2], [sflag:$0x5] =	stream.linear.gather [hbm4b:s3+s2], $0x80, $0x38;
	[tilespmem:$0x1F080] =	vst v63  }
0x10: {  	_ =	swait.ge [sflag:s13], $0x80  }
0x11: {  	[sflag:s13] =	ssyncset.done $0x0  }
0x12: {  	[sflag:s13] =	ssyncadd.s32 $0xFFFFFF80  }
0x13: {  	[tilespmem:s14], [sflag:$0x1] =	stream.linear.gather [hbm4b:s4+s2], $0x7C00, $0x38;
	[tilespmem:$0x1F080] =	vst v63  }
0x14: {  	_ = 	snop  }
0x15: {  	[tilespmem:s15], [sflag:$0x2] =	stream.linear.gather [hbm4b:s5+s2], $0x7C00, $0x38;
	[tilespmem:$0x1F080] =	vst v63  }
0x16: {  	_ =	swait.ge [sflag:s16], $0x7C00  }
0x17: {  	[sflag:s16] =	ssyncset.done $0x0  }
0x18: {  	s26 =	simm.s32 $0x180;
	[sflag:s16] =	ssyncadd.s32 $0xFFFF8400  }
0x19: {  	v0 =	vld [tilespmem:s26+$0x80]  }
0x1a: {  	v1 =	vld [tilespmem:s26+$0xFFFFFF80]  }
0x1b: {  	v2 =	vld [tilespmem:s26+$0x0];
	_ =	sdelay $0x2  }
0x1c: {  	v3 =	vld [tilespmem:s26+$0xFFFFFF00];
	_ =	sdelay $0x2  }
0x1d: {  	v0 =	vld.idx.msk [tilespmem:v0+s2+$0x0], $0xffff  }
0x1e: {  	v1 =	vld.idx.msk [tilespmem:v1+s2+$0x0], $0xffff  }
0x1f: {  	v2 =	vld.idx.msk [tilespmem:v2+s2+$0x0], $0xffff;
	_ =	sdelay $0x1  }
0x20: {  	s23 =	simm.s32 $0xF980  }
0x21: {  	v3 =	vld.idx.msk [tilespmem:v3+s2+$0x0], $0xffff;
	[tilespmem:s23+$0x80] =	vst v0  }
0x22: {  	[tilespmem:s23+$0xFFFFFF80] =	vst v1;
	v0 =	vld [tilespmem:s26+$0x90]  }
0x23: {  	[tilespmem:s23+$0x0] =	vst v2;
	v1 =	vld [tilespmem:s26+$0xFFFFFF90]  }
0x24: {  	v2 =	vld [tilespmem:s26+$0x10];
	_ =	sdelay $0x1  }
0x25: {  	[tilespmem:s23+$0xFFFFFF00] =	vst v3  }
0x26: {  	v3 =	vld [tilespmem:s26+$0xFFFFFF10];
	_ =	sdelay $0x2  }
0x27: {  	v0 =	vld.idx.msk [tilespmem:v0+s2+$0x0], $0xffff  }
0x28: {  	v1 =	vld.idx.msk [tilespmem:v1+s2+$0x0], $0xffff  }
0x29: {  	v2 =	vld.idx.msk [tilespmem:v2+s2+$0x0], $0xffff;
	_ =	sdelay $0x2  }
0x2a: {  	v3 =	vld.idx.msk [tilespmem:v3+s2+$0x0], $0xffff;
	[tilespmem:s23+$0x90] =	vst v0  }
0x2b: {  	[tilespmem:s23+$0xFFFFFF90] =	vst v1;
	v0 =	vld [tilespmem:s26+$0xA0]  }
0x2c: {  	[tilespmem:s23+$0x10] =	vst v2;
	v1 =	vld [tilespmem:s26+$0xFFFFFFA0]  }
0x2d: {  	v2 =	vld [tilespmem:s26+$0x20];
	_ =	sdelay $0x1  }
0x2e: {  	[tilespmem:s23+$0xFFFFFF10] =	vst v3  }
0x2f: {  	v3 =	vld [tilespmem:s26+$0xFFFFFF20]  }
0x30: {  	s24 =	simm.s32 $0x380  }
0x31: {  	v4 =	vld [tilespmem:s24+$0x80]  }
0x32: {  	v0 =	vld.idx.msk [tilespmem:v0+s2+$0x0], $0xffff  }
0x33: {  	v1 =	vld.idx.msk [tilespmem:v1+s2+$0x0], $0xffff  }
0x34: {  	v2 =	vld.idx.msk [tilespmem:v2+s2+$0x0], $0xffff;
	_ =	sdelay $0x1  }
0x35: {  	v5 =	vld [tilespmem:s24+$0xFFFFFF80]  }
0x36: {  	v3 =	vld.idx.msk [tilespmem:v3+s2+$0x0], $0xffff;
	[tilespmem:s23+$0xA0] =	vst v0  }
0x37: {  	[tilespmem:s23+$0xFFFFFFA0] =	vst v1;
	v0 =	vld [tilespmem:s26+$0xB0]  }
0x38: {  	[tilespmem:s23+$0x20] =	vst v2;
	v1 =	vld [tilespmem:s26+$0xFFFFFFB0]  }
0x39: {  	v2 =	vld [tilespmem:s26+$0x30];
	_ =	sdelay $0x1  }
0x3a: {  	v4 =	vld.idx.msk [tilespmem:v4+s2+$0x0], $0xffff;
	[tilespmem:s23+$0xFFFFFF20] =	vst v3  }
0x3b: {  	v3 =	vld [tilespmem:s26+$0xFFFFFF30]  }
0x3c: {  	v5 =	vld.idx.msk [tilespmem:v5+s2+$0x0], $0xffff  }
0x3d: {  	v6 =	vld [tilespmem:s24+$0x0]  }
0x3e: {  	v0 =	vld.idx.msk [tilespmem:v0+s2+$0x0], $0xffff  }
0x3f: {  	s25 =	simm.s32 $0xFB80;
	v1 =	vld.idx.msk [tilespmem:v1+s2+$0x0], $0xffff  }
0x40: {  	[tilespmem:s25+$0x80] =	vst v4;
	v2 =	vld.idx.msk [tilespmem:v2+s2+$0x0], $0xffff  }
0x41: {  	[tilespmem:s25+$0xFFFFFF80] =	vst v5;
	v4 =	vld [tilespmem:s24+$0x90]  }
0x42: {  	v5 =	vld [tilespmem:s24+$0xFFFFFF90]  }
0x43: {  	v3 =	vld.idx.msk [tilespmem:v3+s2+$0x0], $0xffff;
	[tilespmem:s23+$0xB0] =	vst v0  }
0x44: {  	[tilespmem:s23+$0xFFFFFFB0] =	vst v1;
	v0 =	vld [tilespmem:s26+$0xC0]  }
0x45: {  	[tilespmem:s23+$0x30] =	vst v2;
	v1 =	vld [tilespmem:s26+$0xFFFFFFC0]  }
0x46: {  	v2 =	vld [tilespmem:s26+$0x40]  }
0x47: {  	v7 =	vld [tilespmem:s24+$0xFFFFFF00]  }
0x48: {  	v6 =	vld.idx.msk [tilespmem:v6+s2+$0x0], $0xffff  }
0x49: {  	v4 =	vld.idx.msk [tilespmem:v4+s2+$0x0], $0xffff;
	[tilespmem:s23+$0xFFFFFF30] =	vst v3  }
0x4a: {  	v3 =	vld [tilespmem:s26+$0xFFFFFF40]  }
0x4b: {  	v5 =	vld.idx.msk [tilespmem:v5+s2+$0x0], $0xffff  }
0x4c: {  	v0 =	vld.idx.msk [tilespmem:v0+s2+$0x0], $0xffff  }
0x4d: {  	v1 =	vld.idx.msk [tilespmem:v1+s2+$0x0], $0xffff  }
0x4e: {  	[tilespmem:s25+$0x0] =	vst v6;
	v2 =	vld.idx.msk [tilespmem:v2+s2+$0x0], $0xffff  }
0x4f: {  	[tilespmem:s25+$0x90] =	vst v4  }
0x50: {  	v7 =	vld.idx.msk [tilespmem:v7+s2+$0x0], $0xffff;
	[tilespmem:s25+$0xFFFFFF90] =	vst v5  }
0x51: {  	v5 =	vld [tilespmem:s24+$0xA0];
	[tilespmem:s23+$0xC0] =	vst v0  }
0x52: {  	[tilespmem:s23+$0xFFFFFFC0] =	vst v1;
	v1 =	vld.idx.msk [tilespmem:v3+s2+$0x0], $0xffff  }
0x53: {  	[tilespmem:s23+$0x40] =	vst v2;
	v2 =	vld [tilespmem:s24+$0x10]  }
0x54: {  	v0 =	vld [tilespmem:s26+$0xD0]  }
0x55: {  	v3 =	vld [tilespmem:s26+$0xFFFFFFD0]  }
0x56: {  	[tilespmem:s25+$0xFFFFFF00] =	vst v7;
	v6 =	vld [tilespmem:s26+$0x50]  }
0x57: {  	[tilespmem:s23+$0xFFFFFF40] =	vst v1;
	v1 =	vld [tilespmem:s24+$0xFFFFFF10]  }
0x58: {  	v7 =	vld [tilespmem:s26+$0xFFFFFF50];
	_ =	sdelay $0x1  }
0x59: {  	v5 =	vld.idx.msk [tilespmem:v5+s2+$0x0], $0xffff  }
0x5a: {  	v2 =	vld.idx.msk [tilespmem:v2+s2+$0x0], $0xffff  }
0x5b: {  	v0 =	vld.idx.msk [tilespmem:v0+s2+$0x0], $0xffff  }
0x5c: {  	v3 =	vld.idx.msk [tilespmem:v3+s2+$0x0], $0xffff  }
0x5d: {  	v6 =	vld.idx.msk [tilespmem:v6+s2+$0x0], $0xffff  }
0x5e: {  	v1 =	vld.idx.msk [tilespmem:v1+s2+$0x0], $0xffff  }
0x5f: {  	v4 =	vld.idx.msk [tilespmem:v7+s2+$0x0], $0xffff  }
0x60: {  	[tilespmem:s25+$0x10] =	vst v2;
	v7 =	vld [tilespmem:s24+$0xFFFFFFA0]  }
0x61: {  	[tilespmem:s23+$0xD0] =	vst v0;
	v2 =	vld [tilespmem:s24+$0x20]  }
0x62: {  	[tilespmem:s23+$0xFFFFFFD0] =	vst v3;
	v0 =	vld [tilespmem:s26+$0xE0]  }
0x63: {  	v3 =	vld [tilespmem:s26+$0xFFFFFFE0];
	[tilespmem:s25+$0xFFFFFF10] =	vst v1  }
0x64: {  	v1 =	vld [tilespmem:s24+$0xFFFFFF20];
	[tilespmem:s23+$0xFFFFFF50] =	vst v4  }
0x65: {  	[tilespmem:s25+$0xA0] =	vst v5;
	v4 =	vld [tilespmem:s26+$0xFFFFFF60]  }
0x66: {  	v5 =	vld [tilespmem:s24+$0xB0];
	[tilespmem:s23+$0x50] =	vst v6  }
0x67: {  	v6 =	vld [tilespmem:s26+$0x60]  }
0x68: {  	v7 =	vld.idx.msk [tilespmem:v7+s2+$0x0], $0xffff  }
0x69: {  	v2 =	vld.idx.msk [tilespmem:v2+s2+$0x0], $0xffff  }
0x6a: {  	v0 =	vld.idx.msk [tilespmem:v0+s2+$0x0], $0xffff  }
0x6b: {  	v3 =	vld.idx.msk [tilespmem:v3+s2+$0x0], $0xffff  }
0x6c: {  	v1 =	vld.idx.msk [tilespmem:v1+s2+$0x0], $0xffff  }
0x6d: {  	[tilespmem:s25+$0xFFFFFFA0] =	vst v7;
	v4 =	vld.idx.msk [tilespmem:v4+s2+$0x0], $0xffff  }
0x6e: {  	[tilespmem:s25+$0x20] =	vst v2;
	v7 =	vld [tilespmem:s24+$0xFFFFFFB0]  }
0x6f: {  	[tilespmem:s23+$0xE0] =	vst v0;
	v2 =	vld [tilespmem:s24+$0x30]  }
0x70: {  	v0 =	vld [tilespmem:s26+$0xF0]  }
0x71: {  	v6 =	vld.idx.msk [tilespmem:v6+s2+$0x0], $0xffff;
	[tilespmem:s25+$0xFFFFFF20] =	vst v1  }
0x72: {  	[tilespmem:s23+$0xFFFFFFE0] =	vst v3;
	v1 =	vld [tilespmem:s24+$0xFFFFFF30]  }
0x73: {  	v3 =	vld.idx.msk [tilespmem:v5+s2+$0x0], $0xffff;
	[tilespmem:s23+$0xFFFFFF60] =	vst v4  }
0x74: {  	v4 =	vld [tilespmem:s26+$0xFFFFFF70]  }
0x75: {  	v9 =	vld [tilespmem:s26+$0xFFFFFFF0]  }
0x76: {  	v5 =	vld.idx.msk [tilespmem:v7+s2+$0x0], $0xffff  }
0x77: {  	v2 =	vld.idx.msk [tilespmem:v2+s2+$0x0], $0xffff  }
0x78: {  	[tilespmem:s23+$0x60] =	vst v6;
	v8 =	vld.idx.msk [tilespmem:v0+s2+$0x0], $0xffff  }
0x79: {  	v0 =	vld [tilespmem:s26+$0x70]  }
0x7a: {  	[tilespmem:s25+$0xB0] =	vst v3;
	v6 =	vld.idx.msk [tilespmem:v1+s2+$0x0], $0xffff  }
0x7b: {  	[tilespmem:s25+$0xFFFFFFB0] =	vst v5;
	v5 =	vld [tilespmem:s24+$0xC0]  }
0x7c: {  	v1 =	vld.idx.msk [tilespmem:v4+s2+$0x0], $0xffff  }
0x7d: {  	[tilespmem:s25+$0x30] =	vst v2;
	v2 =	vld.idx.msk [tilespmem:v9+s2+$0x0], $0xffff  }
0x7e: {  	v3 =	vld [tilespmem:s24+$0xFFFFFFC0]  }
0x7f: {  	s28 =	simm.s32 $0x4;
	s29 =	simm.s32 $0x580;
	s26 =	simm.s32 $0xFB80;
	v4 =	vld [tilespmem:s24+$0x40];
	[tilespmem:s23+$0xF0] =	vst v8  }
.LBB2_2:
0x80: {  	v7 =	vld [tilespmem:s29+$0x80];
	s28 =	sadd.s32 $0x4, s28;
	[tilespmem:s25+$0xFFFFFF30] =	vst v6  }
0x81: {  	v6 =	vld [tilespmem:s29+$0xFFFFFF80];
	p0 =	slt.u32 s28, $0xF4;
	[tilespmem:s23+$0xFFFFFF70] =	vst v1  }
0x82: {  	v1 =	vld [tilespmem:s29+$0x0]  }
0x83: {  	v8 =	vld [tilespmem:s29+$0xFFFFFF00]  }
0x84: {  	v5 =	vld.idx.msk [tilespmem:v5+s2+$0x0], $0xffff  }
0x85: {  	v9 =	vld [tilespmem:s24+$0xFFFFFF40];
	[tilespmem:s23+$0xFFFFFFF0] =	vst v2  }
0x86: {  	v2 =	vld.idx.msk [tilespmem:v3+s2+$0x0], $0xffff  }
0x87: {  	v3 =	vld.idx.msk [tilespmem:v4+s2+$0x0], $0xffff  }
0x88: {  	v4 =	vld.idx.msk [tilespmem:v7+s2+$0x0], $0xffff  }
0x89: {  	v6 =	vld.idx.msk [tilespmem:v6+s2+$0x0], $0xffff  }
0x8a: {  	v1 =	vld.idx.msk [tilespmem:v1+s2+$0x0], $0xffff;
	[tilespmem:s25+$0xC0] =	vst v5  }
0x8b: {  	v5 =	vld [tilespmem:s24+$0xD0]  }
0x8c: {  	v7 =	vld.idx.msk [tilespmem:v8+s2+$0x0], $0xffff;
	[tilespmem:s25+$0xFFFFFFC0] =	vst v2  }
0x8d: {  	s25 =	sadd.s32 $0x200, s25;
	v2 =	vld.idx.msk [tilespmem:v9+s2+$0x0], $0xffff;
	[tilespmem:s26+$0x40] =	vst v3  }
0x8e: {  	[tilespmem:s25+$0x80] =	vst v4;
	v3 =	vld [tilespmem:s24+$0xFFFFFFD0]  }
0x8f: {  	[tilespmem:s25+$0xFFFFFF80] =	vst v6;
	v4 =	vld [tilespmem:s29+$0x90]  }
0x90: {  	v6 =	vld [tilespmem:s29+$0xFFFFFF90];
	[tilespmem:s25+$0x0] =	vst v1  }
0x91: {  	v1 =	vld [tilespmem:s29+$0x10]  }
0x92: {  	[tilespmem:s25+$0xFFFFFF00] =	vst v7;
	v7 =	vld [tilespmem:s24+$0x50]  }
0x93: {  	[tilespmem:s26+$0xFFFFFF40] =	vst v2;
	v2 =	vld.idx.msk [tilespmem:v5+s2+$0x0], $0xffff  }
0x94: {  	v5 =	vld [tilespmem:s29+$0xFFFFFF10]  }
0x95: {  	v8 =	vld [tilespmem:s24+$0xFFFFFF50]  }
0x96: {  	v3 =	vld.idx.msk [tilespmem:v3+s2+$0x0], $0xffff  }
0x97: {  	v4 =	vld.idx.msk [tilespmem:v4+s2+$0x0], $0xffff  }
0x98: {  	v6 =	vld.idx.msk [tilespmem:v6+s2+$0x0], $0xffff  }
0x99: {  	v1 =	vld.idx.msk [tilespmem:v1+s2+$0x0], $0xffff;
	[tilespmem:s26+$0xD0] =	vst v2  }
0x9a: {  	v2 =	vld [tilespmem:s24+$0xE0]  }
0x9b: {  	v7 =	vld.idx.msk [tilespmem:v7+s2+$0x0], $0xffff  }
0x9c: {  	v5 =	vld.idx.msk [tilespmem:v5+s2+$0x0], $0xffff;
	[tilespmem:s26+$0xFFFFFFD0] =	vst v3  }
0x9d: {  	[tilespmem:s25+$0x90] =	vst v4;
	v3 =	vld.idx.msk [tilespmem:v8+s2+$0x0], $0xffff  }
0x9e: {  	[tilespmem:s25+$0xFFFFFF90] =	vst v6;
	v4 =	vld [tilespmem:s29+$0xA0]  }
0x9f: {  	v6 =	vld [tilespmem:s29+$0xFFFFFFA0];
	[tilespmem:s25+$0x10] =	vst v1  }
0xa0: {  	v1 =	vld [tilespmem:s29+$0x20]  }
0xa1: {  	v8 =	vld [tilespmem:s24+$0xFFFFFFE0];
	[tilespmem:s26+$0x50] =	vst v7  }
0xa2: {  	[tilespmem:s25+$0xFFFFFF10] =	vst v5;
	v2 =	vld.idx.msk [tilespmem:v2+s2+$0x0], $0xffff  }
0xa3: {  	v5 =	vld [tilespmem:s29+$0xFFFFFF20];
	[tilespmem:s26+$0xFFFFFF50] =	vst v3  }
0xa4: {  	v3 =	vld [tilespmem:s24+$0xFFFFFF60]  }
0xa5: {  	v7 =	vld [tilespmem:s24+$0x60]  }
0xa6: {  	v4 =	vld.idx.msk [tilespmem:v4+s2+$0x0], $0xffff  }
0xa7: {  	v6 =	vld.idx.msk [tilespmem:v6+s2+$0x0], $0xffff  }
0xa8: {  	v1 =	vld.idx.msk [tilespmem:v1+s2+$0x0], $0xffff;
	[tilespmem:s26+$0xE0] =	vst v2  }
0xa9: {  	v2 =	vld [tilespmem:s24+$0xF0]  }
0xaa: {  	v8 =	vld.idx.msk [tilespmem:v8+s2+$0x0], $0xffff  }
0xab: {  	v5 =	vld.idx.msk [tilespmem:v5+s2+$0x0], $0xffff  }
0xac: {  	[tilespmem:s25+$0xA0] =	vst v4;
	v3 =	vld.idx.msk [tilespmem:v3+s2+$0x0], $0xffff  }
0xad: {  	[tilespmem:s25+$0xFFFFFFA0] =	vst v6;
	v4 =	vld [tilespmem:s29+$0xB0]  }
0xae: {  	v6 =	vld [tilespmem:s29+$0xFFFFFFB0];
	[tilespmem:s25+$0x20] =	vst v1  }
0xaf: {  	v1 =	vld [tilespmem:s29+$0x30]  }
0xb0: {  	[tilespmem:s26+$0xFFFFFFE0] =	vst v8;
	v7 =	vld.idx.msk [tilespmem:v7+s2+$0x0], $0xffff  }
0xb1: {  	[tilespmem:s25+$0xFFFFFF20] =	vst v5;
	v2 =	vld.idx.msk [tilespmem:v2+s2+$0x0], $0xffff  }
0xb2: {  	v5 =	vld [tilespmem:s29+$0xFFFFFF30];
	[tilespmem:s26+$0xFFFFFF60] =	vst v3  }
0xb3: {  	v3 =	vld [tilespmem:s24+$0xFFFFFF70]  }
0xb4: {  	v8 =	vld [tilespmem:s24+$0xFFFFFFF0]  }
0xb5: {  	v4 =	vld.idx.msk [tilespmem:v4+s2+$0x0], $0xffff  }
0xb6: {  	v9 =	vld.idx.msk [tilespmem:v6+s2+$0x0], $0xffff;
	[tilespmem:s26+$0x60] =	vst v7  }
0xb7: {  	v7 =	vld.idx.msk [tilespmem:v1+s2+$0x0], $0xffff;
	[tilespmem:s26+$0xF0] =	vst v2  }
0xb8: {  	v2 =	vld [tilespmem:s24+$0x70];
	s24 =	smov.u32 s29  }
0xb9: {  	v10 =	vld.idx.msk [tilespmem:v0+s2+$0x0], $0xffff  }
0xba: {  	v6 =	vld.idx.msk [tilespmem:v5+s2+$0x0], $0xffff  }
.Ltmp0:
0xbb: {  	[tilespmem:s25+$0xB0] =	vst v4;
	v1 =	vld.idx.msk [tilespmem:v3+s2+$0x0], $0xffff;
	(pc) =	sbr.rel @p0 .LBB2_2-.Ltmp0, $4  }
0xbc: {  	[tilespmem:s25+$0xFFFFFFB0] =	vst v9;
	v5 =	vld [tilespmem:s29+$0xC0]  }
0xbd: {  	v3 =	vld [tilespmem:s29+$0xFFFFFFC0];
	[tilespmem:s25+$0x30] =	vst v7;
	v0 =	vmov v2  }
0xbe: {  	v4 =	vld [tilespmem:s29+$0x40]  }
0xbf: {  	s29 =	sadd.s32 $0x200, s29;
	v2 =	vld.idx.msk [tilespmem:v8+s2+$0x0], $0xffff;
	[tilespmem:s23+$0x70] =	vst v10;
	s23 =	smov.u32 s26;
	s26 =	smov.u32 s25  }
0xc0: {  	[tilespmem:s25+$0xFFFFFF30] =	vst v6  }
0xc1: {  	v6 =	vld [tilespmem:s24+$0xFFFFFF40];
	_ =	sdelay $0x4  }
0xc2: {  	v5 =	vld.idx.msk [tilespmem:v5+s2+$0x0], $0xffff  }
0xc3: {  	v3 =	vld.idx.msk [tilespmem:v3+s2+$0x0], $0xffff  }
0xc4: {  	v4 =	vld.idx.msk [tilespmem:v4+s2+$0x0], $0xffff  }
0xc5: {  	v6 =	vld.idx.msk [tilespmem:v6+s2+$0x0], $0xffff;
	_ =	sdelay $0x1  }
0xc6: {  	[tilespmem:s25+$0xC0] =	vst v5  }
0xc7: {  	v5 =	vld [tilespmem:s24+$0xD0];
	[tilespmem:s25+$0xFFFFFFC0] =	vst v3  }
0xc8: {  	[tilespmem:s26+$0x40] =	vst v4;
	v4 =	vld [tilespmem:s24+$0xFFFFFFD0]  }
0xc9: {  	[tilespmem:s26+$0xFFFFFF40] =	vst v6;
	v6 =	vld [tilespmem:s24+$0x50]  }
0xca: {  	v3 =	vld [tilespmem:s24+$0xFFFFFF50];
	_ =	sdelay $0x4  }
0xcb: {  	v5 =	vld.idx.msk [tilespmem:v5+s2+$0x0], $0xffff  }
0xcc: {  	v4 =	vld.idx.msk [tilespmem:v4+s2+$0x0], $0xffff  }
0xcd: {  	v6 =	vld.idx.msk [tilespmem:v6+s2+$0x0], $0xffff  }
0xce: {  	v3 =	vld.idx.msk [tilespmem:v3+s2+$0x0], $0xffff;
	_ =	sdelay $0x1  }
0xcf: {  	[tilespmem:s26+$0xD0] =	vst v5  }
0xd0: {  	v5 =	vld [tilespmem:s24+$0xE0];
	[tilespmem:s26+$0xFFFFFFD0] =	vst v4  }
0xd1: {  	v4 =	vld [tilespmem:s24+$0xFFFFFFE0];
	[tilespmem:s26+$0x50] =	vst v6  }
0xd2: {  	[tilespmem:s26+$0xFFFFFF50] =	vst v3;
	v6 =	vld [tilespmem:s24+$0x60]  }
0xd3: {  	v3 =	vld [tilespmem:s24+$0xFFFFFF60];
	_ =	sdelay $0x4  }
0xd4: {  	v5 =	vld.idx.msk [tilespmem:v5+s2+$0x0], $0xffff  }
0xd5: {  	v4 =	vld.idx.msk [tilespmem:v4+s2+$0x0], $0xffff  }
0xd6: {  	v6 =	vld.idx.msk [tilespmem:v6+s2+$0x0], $0xffff  }
0xd7: {  	v3 =	vld.idx.msk [tilespmem:v3+s2+$0x0], $0xffff;
	_ =	sdelay $0x1  }
0xd8: {  	[tilespmem:s26+$0xE0] =	vst v5  }
0xd9: {  	v5 =	vld [tilespmem:s24+$0xF0];
	[tilespmem:s26+$0xFFFFFFE0] =	vst v4  }
0xda: {  	v4 =	vld [tilespmem:s24+$0xFFFFFFF0];
	[tilespmem:s26+$0x60] =	vst v6  }
0xdb: {  	[tilespmem:s26+$0xFFFFFF60] =	vst v3;
	v6 =	vld [tilespmem:s24+$0x70]  }
0xdc: {  	v3 =	vld [tilespmem:s24+$0xFFFFFF70];
	_ =	sdelay $0x3  }
0xdd: {  	v0 =	vld.idx.msk [tilespmem:v0+s2+$0x0], $0xffff  }
0xde: {  	v5 =	vld.idx.msk [tilespmem:v5+s2+$0x0], $0xffff  }
0xdf: {  	[tilespmem:s23+$0xFFFFFF70] =	vst v1;
	v1 =	vld.idx.msk [tilespmem:v4+s2+$0x0], $0xffff  }
0xe0: {  	[tilespmem:s23+$0xFFFFFFF0] =	vst v2;
	v2 =	vld.idx.msk [tilespmem:v6+s2+$0x0], $0xffff  }
0xe1: {  	v3 =	vld.idx.msk [tilespmem:v3+s2+$0x0], $0xffff  }
0xe2: {  	[tilespmem:s23+$0x70] =	vst v0  }
0xe3: {  	[tilespmem:s26+$0xF0] =	vst v5  }
0xe4: {  	[tilespmem:s26+$0xFFFFFFF0] =	vst v1  }
0xe5: {  	[tilespmem:s26+$0x70] =	vst v2  }
0xe6: {  	s31 =	simm.s32 $0x0;
	[tilespmem:s26+$0xFFFFFF70] =	vst v3  }
0xe7: {  	[hbm4b:s6+s31] =	stream.linear.scatter [tilespmem:s17], [sflag:$0x3], $0x7C00, $0x38;
	[tilespmem:$0x1F080] =	vst v63  }
0xe8: {  	_ = 	snop  }
0xe9: {  	[tilespmem:s14], [sflag:$0x1] =	stream.linear.gather [hbm4b:s7+s31], $0x7C00, $0x38;
	[tilespmem:$0x1F080] =	vst v63  }
0xea: {  	_ =	swait.ge [sflag:s18], $0x7C00  }
0xeb: {  	[sflag:s18] =	ssyncset.done $0x0  }
0xec: {  	s23 =	simm.s32 $0x0;
	[sflag:s18] =	ssyncadd.s32 $0xFFFF8400  }
0xed: {  	v0 =	vld [tilespmem:s23+$0x7E00]  }
0xee: {  	v1 =	vld [tilespmem:s23+$0x7C80]  }
0xef: {  	v2 =	vld [tilespmem:s23+$0x7D00]  }
0xf0: {  	v3 =	vld [tilespmem:s23+$0x7D80]  }
0xf1: {  	v4 =	vld [tilespmem:s23+$0x7C90]  }
0xf2: {  	v5 =	vld [tilespmem:s23+$0x7D10]  }
0xf3: {  	v6 =	vld [tilespmem:s23+$0x7D90]  }
0xf4: {  	v7 =	vld [tilespmem:s23+$0x7E10]  }
0xf5: {  	v8 =	vld [tilespmem:s23+$0x7CA0]  }
0xf6: {  	s24 =	simm.s32 $0x200;
	v9 =	vld [tilespmem:s23+$0x7D20]  }
0xf7: {  	v10 =	vld [tilespmem:s24+$0x7C90]  }
0xf8: {  	v11 =	vld [tilespmem:s24+$0x7D10]  }
0xf9: {  	v12 =	vld [tilespmem:s24+$0x7D90]  }
0xfa: {  	v13 =	vld [tilespmem:s24+$0x7E10]  }
0xfb: {  	v14 =	vld [tilespmem:s24+$0x7CA0]  }
0xfc: {  	v15 =	vld [tilespmem:s24+$0x7D20]  }
0xfd: {  	v52 =	vld [tilespmem:s24+$0x7DA0]  }
0xfe: {  	v53 =	vld [tilespmem:s24+$0x7CB0]  }
0xff: {  	v54 =	vld [tilespmem:s24+$0x7DB0]  }
0x100: {  	v55 =	vld [tilespmem:s24+$0x7D40]  }
0x101: {  	v1 =	vld.idx.msk [tilespmem:v1+s2+$0x0], $0xffff  }
0x102: {  	v2 =	vld.idx.msk [tilespmem:v2+s2+$0x0], $0xffff  }
0x103: {  	v3 =	vld.idx.msk [tilespmem:v3+s2+$0x0], $0xffff  }
0x104: {  	v56 =	vld [tilespmem:s24+$0x7DC0]  }
0x105: {  	v0 =	vld.idx.msk [tilespmem:v0+s2+$0x0], $0xffff  }
0x106: {  	v57 =	vld [tilespmem:s24+$0x7CD0];
	[tilespmem:s23+$0x17480] =	vst v1  }
0x107: {  	[tilespmem:s23+$0x17500] =	vst v2;
	v4 =	vld.idx.msk [tilespmem:v4+s2+$0x0], $0xffff  }
0x108: {  	[tilespmem:s23+$0x17580] =	vst v3;
	v2 =	vld.idx.msk [tilespmem:v5+s2+$0x0], $0xffff  }
0x109: {  	v3 =	vld.idx.msk [tilespmem:v6+s2+$0x0], $0xffff  }
0x10a: {  	[tilespmem:s23+$0x17600] =	vst v0;
	v5 =	vld [tilespmem:s23+$0x7DA0]  }
0x10b: {  	v1 =	vld.idx.msk [tilespmem:v7+s2+$0x0], $0xffff  }
0x10c: {  	v6 =	vld [tilespmem:s23+$0x7CB0];
	[tilespmem:s23+$0x17490] =	vst v4  }
0x10d: {  	[tilespmem:s23+$0x17510] =	vst v2;
	v4 =	vld.idx.msk [tilespmem:v8+s2+$0x0], $0xffff  }
0x10e: {  	v2 =	vld.idx.msk [tilespmem:v9+s2+$0x0], $0xffff  }
0x10f: {  	[tilespmem:s23+$0x17590] =	vst v3;
	v3 =	vld [tilespmem:s23+$0x7D30]  }
0x110: {  	v7 =	vld [tilespmem:s23+$0x7DB0]  }
0x111: {  	v58 =	vld [tilespmem:s24+$0x7D50]  }
0x112: {  	v5 =	vld.idx.msk [tilespmem:v5+s2+$0x0], $0xffff;
	[tilespmem:s23+$0x174A0] =	vst v4  }
0x113: {  	[tilespmem:s23+$0x17520] =	vst v2;
	v2 =	vld [tilespmem:s23+$0x7CC0]  }
0x114: {  	v4 =	vld.idx.msk [tilespmem:v6+s2+$0x0], $0xffff  }
0x115: {  	v59 =	vld [tilespmem:s24+$0x7DD0]  }
0x116: {  	v6 =	vld [tilespmem:s23+$0x7D40]  }
0x117: {  	v3 =	vld.idx.msk [tilespmem:v3+s2+$0x0], $0xffff;
	[tilespmem:s23+$0x175A0] =	vst v5  }
0x118: {  	v5 =	vld.idx.msk [tilespmem:v7+s2+$0x0], $0xffff  }
0x119: {  	[tilespmem:s23+$0x174B0] =	vst v4;
	v4 =	vld [tilespmem:s23+$0x7DC0]  }
0x11a: {  	v7 =	vld [tilespmem:s23+$0x7CD0]  }
0x11b: {  	v61 =	vld [tilespmem:s24+$0x7D60]  }
0x11c: {  	v2 =	vld.idx.msk [tilespmem:v2+s2+$0x0], $0xffff  }
0x11d: {  	v62 =	vld [tilespmem:s24+$0x7DE0];
	[tilespmem:s23+$0x17530] =	vst v3  }
0x11e: {  	v3 =	vld.idx.msk [tilespmem:v6+s2+$0x0], $0xffff  }
0x11f: {  	v6 =	vld [tilespmem:s23+$0x7D50]  }
0x120: {  	[tilespmem:s23+$0x175B0] =	vst v5;
	v5 =	vld [tilespmem:s23+$0x7DD0]  }
0x121: {  	[tilespmem:s23+$0x174C0] =	vst v2;
	v2 =	vld.idx.msk [tilespmem:v4+s2+$0x0], $0xffff  }
0x122: {  	v4 =	vld.idx.msk [tilespmem:v7+s2+$0x0], $0xffff  }
0x123: {  	[tilespmem:s23+$0x17540] =	vst v3;
	v3 =	vld [tilespmem:s23+$0x7CE0]  }
0x124: {  	v0 =	vld [tilespmem:s23+$0x7E20]  }
0x125: {  	v7 =	vld [tilespmem:s23+$0x7D60]  }
0x126: {  	[tilespmem:s23+$0x17610] =	vst v1;
	v1 =	vld [tilespmem:s23+$0x7E30]  }
0x127: {  	v6 =	vld.idx.msk [tilespmem:v6+s2+$0x0], $0xffff;
	[tilespmem:s23+$0x175C0] =	vst v2  }
0x128: {  	[tilespmem:s23+$0x174D0] =	vst v4;
	v4 =	vld [tilespmem:s23+$0x7DE0]  }
0x129: {  	v2 =	vld.idx.msk [tilespmem:v5+s2+$0x0], $0xffff  }
0x12a: {  	v5 =	vld [tilespmem:s23+$0x7CF0]  }
0x12b: {  	v3 =	vld.idx.msk [tilespmem:v3+s2+$0x0], $0xffff  }
0x12c: {  	v0 =	vld.idx.msk [tilespmem:v0+s2+$0x0], $0xffff;
	[tilespmem:s23+$0x17550] =	vst v6  }
0x12d: {  	v6 =	vld.idx.msk [tilespmem:v7+s2+$0x0], $0xffff  }
0x12e: {  	v7 =	vld [tilespmem:s24+$0x7D80]  }
0x12f: {  	[tilespmem:s23+$0x175D0] =	vst v2;
	v2 =	vld [tilespmem:s24+$0x7E00]  }
0x130: {  	[tilespmem:s23+$0x174E0] =	vst v3;
	v3 =	vld.idx.msk [tilespmem:v4+s2+$0x0], $0xffff  }
0x131: {  	v4 =	vld [tilespmem:s24+$0x7C80]  }
0x132: {  	v51 =	vld.idx.msk [tilespmem:v5+s2+$0x0], $0xffff  }
0x133: {  	v5 =	vld [tilespmem:s24+$0x7D00]  }
0x134: {  	v63 =	vld [tilespmem:s24+$0x7CF0]  }
0x135: {  	v8 =	vld [tilespmem:s23+$0x7D70]  }
0x136: {  	[tilespmem:s23+$0x17620] =	vst v0;
	v0 =	vld [tilespmem:s23+$0x7E40]  }
0x137: {  	v2 =	vld.idx.msk [tilespmem:v2+s2+$0x0], $0xffff  }
0x138: {  	v1 =	vld.idx.msk [tilespmem:v1+s2+$0x0], $0xffff  }
0x139: {  	v4 =	vld.idx.msk [tilespmem:v4+s2+$0x0], $0xffff  }
0x13a: {  	v7 =	vld.idx.msk [tilespmem:v7+s2+$0x0], $0xffff  }
0x13b: {  	v5 =	vld.idx.msk [tilespmem:v5+s2+$0x0], $0xffff  }
0x13c: {  	[tilespmem:s24+$0x17600] =	vst v2;
	v2 =	vld [tilespmem:s24+$0x7E20]  }
0x13d: {  	[tilespmem:s23+$0x17630] =	vst v1;
	v1 =	vld [tilespmem:s23+$0x7E50]  }
0x13e: {  	[tilespmem:s24+$0x17480] =	vst v4;
	v4 =	vld.idx.msk [tilespmem:v13+s2+$0x0], $0xffff  }
0x13f: {  	v0 =	vld.idx.msk [tilespmem:v0+s2+$0x0], $0xffff;
	[tilespmem:s24+$0x17580] =	vst v7  }
0x140: {  	v7 =	vld.idx.msk [tilespmem:v12+s2+$0x0], $0xffff;
	[tilespmem:s24+$0x17500] =	vst v5  }
0x141: {  	v5 =	vld.idx.msk [tilespmem:v11+s2+$0x0], $0xffff  }
0x142: {  	v10 =	vld.idx.msk [tilespmem:v10+s2+$0x0], $0xffff  }
0x143: {  	[tilespmem:s24+$0x17610] =	vst v4;
	v4 =	vld [tilespmem:s24+$0x7E30]  }
0x144: {  	[tilespmem:s23+$0x17640] =	vst v0;
	v2 =	vld.idx.msk [tilespmem:v2+s2+$0x0], $0xffff  }
0x145: {  	v0 =	vld [tilespmem:s23+$0x7E60];
	[tilespmem:s24+$0x17590] =	vst v7  }
0x146: {  	v7 =	vld [tilespmem:s24+$0x7D30];
	[tilespmem:s24+$0x17510] =	vst v5  }
0x147: {  	[tilespmem:s24+$0x17490] =	vst v10;
	v5 =	vld.idx.msk [tilespmem:v15+s2+$0x0], $0xffff  }
0x148: {  	v10 =	vld.idx.msk [tilespmem:v14+s2+$0x0], $0xffff  }
0x149: {  	[tilespmem:s24+$0x17620] =	vst v2;
	v2 =	vld [tilespmem:s24+$0x7E40]  }
0x14a: {  	v1 =	vld.idx.msk [tilespmem:v1+s2+$0x0], $0xffff  }
0x14b: {  	v4 =	vld.idx.msk [tilespmem:v4+s2+$0x0], $0xffff  }
0x14c: {  	[tilespmem:s24+$0x17520] =	vst v5;
	v5 =	vld [tilespmem:s24+$0x7CC0]  }
0x14d: {  	v11 =	vld.idx.msk [tilespmem:v52+s2+$0x0], $0xffff;
	[tilespmem:s24+$0x174A0] =	vst v10  }
0x14e: {  	v10 =	vld.idx.msk [tilespmem:v53+s2+$0x0], $0xffff  }
0x14f: {  	v7 =	vld.idx.msk [tilespmem:v7+s2+$0x0], $0xffff  }
0x150: {  	[tilespmem:s24+$0x17630] =	vst v4;
	v4 =	vld [tilespmem:s24+$0x7E50]  }
0x151: {  	[tilespmem:s23+$0x17650] =	vst v1;
	v2 =	vld.idx.msk [tilespmem:v2+s2+$0x0], $0xffff  }
0x152: {  	v0 =	vld.idx.msk [tilespmem:v0+s2+$0x0], $0xffff;
	[tilespmem:s24+$0x175A0] =	vst v11  }
0x153: {  	v11 =	vld.idx.msk [tilespmem:v54+s2+$0x0], $0xffff;
	[tilespmem:s24+$0x174B0] =	vst v10  }
0x154: {  	[tilespmem:s24+$0x17530] =	vst v7;
	v5 =	vld.idx.msk [tilespmem:v5+s2+$0x0], $0xffff  }
0x155: {  	v7 =	vld.idx.msk [tilespmem:v55+s2+$0x0], $0xffff  }
0x156: {  	[tilespmem:s24+$0x17640] =	vst v2;
	v2 =	vld [tilespmem:s24+$0x7E60]  }
0x157: {  	v1 =	vld [tilespmem:s23+$0x7E70]  }
0x158: {  	[tilespmem:s24+$0x175B0] =	vst v11;
	v4 =	vld.idx.msk [tilespmem:v4+s2+$0x0], $0xffff  }
0x159: {  	[tilespmem:s24+$0x174C0] =	vst v5;
	v5 =	vld.idx.msk [tilespmem:v56+s2+$0x0], $0xffff  }
0x15a: {  	[tilespmem:s23+$0x17660] =	vst v0;
	v0 =	vld [tilespmem:s23+$0x7DF0]  }
0x15b: {  	[tilespmem:s24+$0x17540] =	vst v7;
	v7 =	vld [tilespmem:s24+$0x7CE0]  }
0x15c: {  	v60 =	vld.idx.msk [tilespmem:v57+s2+$0x0], $0xffff  }
0x15d: {  	[tilespmem:s24+$0x17650] =	vst v4;
	v4 =	vld [tilespmem:s24+$0x7E70]  }
0x15e: {  	[tilespmem:s24+$0x175C0] =	vst v5;
	v2 =	vld.idx.msk [tilespmem:v2+s2+$0x0], $0xffff  }
0x15f: {  	v5 =	vld.idx.msk [tilespmem:v59+s2+$0x0], $0xffff  }
0x160: {  	[tilespmem:s23+$0x17560] =	vst v6;
	v12 =	vld.idx.msk [tilespmem:v58+s2+$0x0], $0xffff  }
0x161: {  	v1 =	vld.idx.msk [tilespmem:v1+s2+$0x0], $0xffff;
	[tilespmem:s23+$0x175E0] =	vst v3  }
0x162: {  	v3 =	vld.idx.msk [tilespmem:v8+s2+$0x0], $0xffff;
	[tilespmem:s24+$0x174D0] =	vst v60  }
0x163: {  	v7 =	vld.idx.msk [tilespmem:v7+s2+$0x0], $0xffff;
	[tilespmem:s24+$0x17660] =	vst v2  }
0x164: {  	[tilespmem:s24+$0x175D0] =	vst v5;
	v5 =	vld [tilespmem:s24+$0x7DF0]  }
0x165: {  	[tilespmem:s24+$0x17550] =	vst v12;
	v2 =	vld.idx.msk [tilespmem:v4+s2+$0x0], $0xffff  }
0x166: {  	v4 =	vld.idx.msk [tilespmem:v61+s2+$0x0], $0xffff  }
0x167: {  	[tilespmem:s23+$0x17670] =	vst v1;
	v1 =	vld [tilespmem:s24+$0x7D70]  }
0x168: {  	[tilespmem:s24+$0x174E0] =	vst v7;
	v7 =	vld.idx.msk [tilespmem:v62+s2+$0x0], $0xffff  }
0x169: {  	s25 =	simm.s32 $0x4;
	s26 =	simm.s32 $0x1000;
	[tilespmem:s23+$0x174F0] =	vst v51;
	v6 =	vld.idx.msk [tilespmem:v63+s2+$0x0], $0xffff  }
.LBB2_4:
0x16a: {  	s28 =	sshra.s32 s26, $0x2;
	s25 =	sadd.s32 $0x4, s25;
	[tilespmem:s24+$0x17670] =	vst v2;
	v2 =	vld.idx.msk [tilespmem:v0+s2+$0x0], $0xffff  }
0x16b: {  	v8 =	vld [tilespmem:s28+$0x7E00];
	p0 =	slt.u32 s25, $0xF4;
	[tilespmem:s24+$0x17560] =	vst v4;
	v0 =	vmov v5  }
0x16c: {  	v4 =	vld [tilespmem:s28+$0x7C80]  }
0x16d: {  	v5 =	vld [tilespmem:s28+$0x7D00];
	[tilespmem:s23+$0x17570] =	vst v3  }
0x16e: {  	v3 =	vld [tilespmem:s28+$0x7D80];
	[tilespmem:s24+$0x175E0] =	vst v7  }
0x16f: {  	v7 =	vld [tilespmem:s28+$0x7C90];
	[tilespmem:s24+$0x174F0] =	vst v6  }
0x170: {  	v6 =	vld [tilespmem:s28+$0x7D10];
	[tilespmem:s23+$0x175F0] =	vst v2;
	s23 =	smov.u32 s24;
	s24 =	smov.u32 s28  }
0x171: {  	v2 =	vld [tilespmem:s24+$0x7D90]  }
0x172: {  	v9 =	vld [tilespmem:s24+$0x7E10]  }
0x173: {  	v8 =	vld.idx.msk [tilespmem:v8+s2+$0x0], $0xffff  }
0x174: {  	v4 =	vld.idx.msk [tilespmem:v4+s2+$0x0], $0xffff  }
0x175: {  	v5 =	vld.idx.msk [tilespmem:v5+s2+$0x0], $0xffff  }
0x176: {  	v3 =	vld.idx.msk [tilespmem:v3+s2+$0x0], $0xffff  }
0x177: {  	v10 =	vld [tilespmem:s24+$0x7CA0]  }
0x178: {  	v11 =	vld [tilespmem:s24+$0x7D20]  }
0x179: {  	[tilespmem:s24+$0x17600] =	vst v8;
	v8 =	vld [tilespmem:s24+$0x7E20]  }
0x17a: {  	[tilespmem:s24+$0x17480] =	vst v4;
	v4 =	vld.idx.msk [tilespmem:v9+s2+$0x0], $0xffff  }
0x17b: {  	v7 =	vld.idx.msk [tilespmem:v7+s2+$0x0], $0xffff;
	[tilespmem:s24+$0x17500] =	vst v5  }
0x17c: {  	v5 =	vld.idx.msk [tilespmem:v6+s2+$0x0], $0xffff;
	[tilespmem:s24+$0x17580] =	vst v3  }
0x17d: {  	v2 =	vld.idx.msk [tilespmem:v2+s2+$0x0], $0xffff  }
0x17e: {  	v3 =	vld [tilespmem:s24+$0x7DA0]  }
0x17f: {  	v6 =	vld [tilespmem:s24+$0x7CB0]  }
0x180: {  	[tilespmem:s24+$0x17610] =	vst v4;
	v4 =	vld [tilespmem:s24+$0x7E30]  }
0x181: {  	[tilespmem:s24+$0x17490] =	vst v7;
	v7 =	vld.idx.msk [tilespmem:v8+s2+$0x0], $0xffff  }
0x182: {  	v8 =	vld.idx.msk [tilespmem:v10+s2+$0x0], $0xffff;
	[tilespmem:s24+$0x17510] =	vst v5  }
0x183: {  	v5 =	vld.idx.msk [tilespmem:v11+s2+$0x0], $0xffff;
	[tilespmem:s24+$0x17590] =	vst v2  }
0x184: {  	v2 =	vld [tilespmem:s24+$0x7D30]  }
0x185: {  	v9 =	vld [tilespmem:s24+$0x7DB0]  }
0x186: {  	v3 =	vld.idx.msk [tilespmem:v3+s2+$0x0], $0xffff  }
0x187: {  	[tilespmem:s24+$0x17620] =	vst v7;
	v7 =	vld [tilespmem:s24+$0x7E40]  }
0x188: {  	[tilespmem:s24+$0x174A0] =	vst v8;
	v4 =	vld.idx.msk [tilespmem:v4+s2+$0x0], $0xffff  }
0x189: {  	v6 =	vld.idx.msk [tilespmem:v6+s2+$0x0], $0xffff;
	[tilespmem:s24+$0x17520] =	vst v5  }
0x18a: {  	v5 =	vld [tilespmem:s24+$0x7CC0]  }
0x18b: {  	v8 =	vld [tilespmem:s24+$0x7D40]  }
0x18c: {  	v2 =	vld.idx.msk [tilespmem:v2+s2+$0x0], $0xffff;
	[tilespmem:s24+$0x175A0] =	vst v3  }
0x18d: {  	v3 =	vld.idx.msk [tilespmem:v9+s2+$0x0], $0xffff  }
0x18e: {  	[tilespmem:s24+$0x17630] =	vst v4;
	v4 =	vld [tilespmem:s24+$0x7E50]  }
0x18f: {  	[tilespmem:s24+$0x174B0] =	vst v6;
	v6 =	vld.idx.msk [tilespmem:v7+s2+$0x0], $0xffff  }
0x190: {  	v7 =	vld [tilespmem:s24+$0x7DC0]  }
0x191: {  	v9 =	vld [tilespmem:s24+$0x7CD0]  }
0x192: {  	v5 =	vld.idx.msk [tilespmem:v5+s2+$0x0], $0xffff;
	[tilespmem:s24+$0x17530] =	vst v2  }
0x193: {  	v2 =	vld.idx.msk [tilespmem:v8+s2+$0x0], $0xffff;
	[tilespmem:s24+$0x175B0] =	vst v3  }
0x194: {  	v3 =	vld [tilespmem:s24+$0x7D50]  }
0x195: {  	[tilespmem:s24+$0x17640] =	vst v6;
	v6 =	vld [tilespmem:s24+$0x7E60]  }
0x196: {  	v4 =	vld.idx.msk [tilespmem:v4+s2+$0x0], $0xffff  }
0x197: {  	v8 =	vld [tilespmem:s24+$0x7DD0]  }
0x198: {  	[tilespmem:s24+$0x174C0] =	vst v5;
	v5 =	vld.idx.msk [tilespmem:v7+s2+$0x0], $0xffff  }
0x199: {  	v7 =	vld.idx.msk [tilespmem:v9+s2+$0x0], $0xffff;
	[tilespmem:s24+$0x17540] =	vst v2  }
0x19a: {  	v2 =	vld [tilespmem:s24+$0x7CE0]  }
0x19b: {  	v9 =	vld [tilespmem:s24+$0x7D60]  }
0x19c: {  	[tilespmem:s24+$0x17650] =	vst v4;
	v4 =	vld [tilespmem:s24+$0x7E70]  }
0x19d: {  	v6 =	vld.idx.msk [tilespmem:v6+s2+$0x0], $0xffff  }
0x19e: {  	v3 =	vld.idx.msk [tilespmem:v3+s2+$0x0], $0xffff;
	[tilespmem:s24+$0x175C0] =	vst v5  }
0x19f: {  	[tilespmem:s24+$0x174D0] =	vst v7;
	v5 =	vld.idx.msk [tilespmem:v8+s2+$0x0], $0xffff  }
0x1a0: {  	v7 =	vld [tilespmem:s24+$0x7DE0]  }
0x1a1: {  	v8 =	vld [tilespmem:s24+$0x7CF0]  }
0x1a2: {  	v10 =	vld.idx.msk [tilespmem:v2+s2+$0x0], $0xffff  }
0x1a3: {  	v11 =	vld [tilespmem:s24+$0x7D70];
	[tilespmem:s24+$0x17660] =	vst v6  }
0x1a4: {  	[tilespmem:s24+$0x17550] =	vst v3;
	v2 =	vld.idx.msk [tilespmem:v4+s2+$0x0], $0xffff  }
.Ltmp1:
0x1a5: {  	v4 =	vld.idx.msk [tilespmem:v9+s2+$0x0], $0xffff;
	[tilespmem:s24+$0x175D0] =	vst v5;
	(pc) =	sbr.rel @p0 .LBB2_4-.Ltmp1, $4  }
0x1a6: {  	v5 =	vld [tilespmem:s24+$0x7DF0]  }
0x1a7: {  	v3 =	vld.idx.msk [tilespmem:v1+s2+$0x0], $0xffff  }
0x1a8: {  	[tilespmem:s24+$0x174E0] =	vst v10;
	v7 =	vld.idx.msk [tilespmem:v7+s2+$0x0], $0xffff;
	v1 =	vmov v11  }
0x1a9: {  	s26 =	sadd.s32 $0x800, s26;
	v6 =	vld.idx.msk [tilespmem:v8+s2+$0x0], $0xffff  }
0x1aa: {  	_ =	sdelay $0x3  }
0x1ab: {  	v0 =	vld.idx.msk [tilespmem:v0+s2+$0x0], $0xffff;
	[tilespmem:s24+$0x17560] =	vst v4  }
0x1ac: {  	v1 =	vld.idx.msk [tilespmem:v1+s2+$0x0], $0xffff;
	[tilespmem:s24+$0x175E0] =	vst v7  }
0x1ad: {  	[tilespmem:s24+$0x17670] =	vst v2;
	v2 =	vld.idx.msk [tilespmem:v5+s2+$0x0], $0xffff  }
0x1ae: {  	[tilespmem:s23+$0x17570] =	vst v3  }
0x1af: {  	[tilespmem:s24+$0x174F0] =	vst v6  }
0x1b0: {  	[tilespmem:s23+$0x175F0] =	vst v0  }
0x1b1: {  	[tilespmem:s24+$0x17570] =	vst v1  }
0x1b2: {  	[tilespmem:s24+$0x175F0] =	vst v2  }
0x1b3: {  	[hbm4b:s8+s2] =	stream.linear.scatter [tilespmem:s19], [sflag:$0x4], $0x7C00, $0x38;
	[tilespmem:$0x1F080] =	vst v63  }
0x1b4: {  	_ = 	snop  }
0x1b5: {  	[tilespmem:s15], [sflag:$0x2] =	stream.linear.gather [hbm4b:s9+s2], $0x7C00, $0x38;
	[tilespmem:$0x1F080] =	vst v63  }
0x1b6: {  	_ =	swait.ge [sflag:s16], $0x7C00  }
0x1b7: {  	[sflag:s16] =	ssyncset.done $0x0  }
0x1b8: {  	[sflag:s16] =	ssyncadd.s32 $0xFFFF8400  }
0x1b9: {  	_ =	swait.ge [sflag:s20], $0x7C00  }
0x1ba: {  	[sflag:s20] =	ssyncset.done $0x0  }
0x1bb: {  	s26 =	simm.s32 $0x180;
	[sflag:s20] =	ssyncadd.s32 $0xFFFF8400  }
0x1bc: {  	v0 =	vld [tilespmem:s26+$0x80]  }
0x1bd: {  	v1 =	vld [tilespmem:s26+$0xFFFFFF80]  }
0x1be: {  	v2 =	vld [tilespmem:s26+$0x0];
	_ =	sdelay $0x2  }
0x1bf: {  	v3 =	vld [tilespmem:s26+$0xFFFFFF00];
	_ =	sdelay $0x2  }
0x1c0: {  	v0 =	vld.idx.msk [tilespmem:v0+s2+$0x0], $0xffff  }
0x1c1: {  	v1 =	vld.idx.msk [tilespmem:v1+s2+$0x0], $0xffff  }
0x1c2: {  	v2 =	vld.idx.msk [tilespmem:v2+s2+$0x0], $0xffff;
	_ =	sdelay $0x1  }
0x1c3: {  	s23 =	simm.s32 $0xF980  }
0x1c4: {  	v3 =	vld.idx.msk [tilespmem:v3+s2+$0x0], $0xffff;
	[tilespmem:s23+$0x80] =	vst v0  }
0x1c5: {  	[tilespmem:s23+$0xFFFFFF80] =	vst v1;
	v0 =	vld [tilespmem:s26+$0x90]  }
0x1c6: {  	[tilespmem:s23+$0x0] =	vst v2;
	v1 =	vld [tilespmem:s26+$0xFFFFFF90]  }
0x1c7: {  	v2 =	vld [tilespmem:s26+$0x10];
	_ =	sdelay $0x1  }
0x1c8: {  	[tilespmem:s23+$0xFFFFFF00] =	vst v3  }
0x1c9: {  	v3 =	vld [tilespmem:s26+$0xFFFFFF10];
	_ =	sdelay $0x2  }
0x1ca: {  	v0 =	vld.idx.msk [tilespmem:v0+s2+$0x0], $0xffff  }
0x1cb: {  	v1 =	vld.idx.msk [tilespmem:v1+s2+$0x0], $0xffff  }
0x1cc: {  	v2 =	vld.idx.msk [tilespmem:v2+s2+$0x0], $0xffff;
	_ =	sdelay $0x2  }
0x1cd: {  	v3 =	vld.idx.msk [tilespmem:v3+s2+$0x0], $0xffff;
	[tilespmem:s23+$0x90] =	vst v0  }
0x1ce: {  	[tilespmem:s23+$0xFFFFFF90] =	vst v1;
	v0 =	vld [tilespmem:s26+$0xA0]  }
0x1cf: {  	[tilespmem:s23+$0x10] =	vst v2;
	v1 =	vld [tilespmem:s26+$0xFFFFFFA0]  }
0x1d0: {  	v2 =	vld [tilespmem:s26+$0x20];
	_ =	sdelay $0x1  }
0x1d1: {  	[tilespmem:s23+$0xFFFFFF10] =	vst v3  }
0x1d2: {  	v3 =	vld [tilespmem:s26+$0xFFFFFF20]  }
0x1d3: {  	s24 =	simm.s32 $0x380  }
0x1d4: {  	v4 =	vld [tilespmem:s24+$0x80]  }
0x1d5: {  	v0 =	vld.idx.msk [tilespmem:v0+s2+$0x0], $0xffff  }
0x1d6: {  	v1 =	vld.idx.msk [tilespmem:v1+s2+$0x0], $0xffff  }
0x1d7: {  	v2 =	vld.idx.msk [tilespmem:v2+s2+$0x0], $0xffff;
	_ =	sdelay $0x1  }
0x1d8: {  	v5 =	vld [tilespmem:s24+$0xFFFFFF80]  }
0x1d9: {  	v3 =	vld.idx.msk [tilespmem:v3+s2+$0x0], $0xffff;
	[tilespmem:s23+$0xA0] =	vst v0  }
0x1da: {  	[tilespmem:s23+$0xFFFFFFA0] =	vst v1;
	v0 =	vld [tilespmem:s26+$0xB0]  }
0x1db: {  	[tilespmem:s23+$0x20] =	vst v2;
	v1 =	vld [tilespmem:s26+$0xFFFFFFB0]  }
0x1dc: {  	v2 =	vld [tilespmem:s26+$0x30];
	_ =	sdelay $0x1  }
0x1dd: {  	v4 =	vld.idx.msk [tilespmem:v4+s2+$0x0], $0xffff;
	[tilespmem:s23+$0xFFFFFF20] =	vst v3  }
0x1de: {  	v3 =	vld [tilespmem:s26+$0xFFFFFF30]  }
0x1df: {  	v5 =	vld.idx.msk [tilespmem:v5+s2+$0x0], $0xffff  }
0x1e0: {  	v6 =	vld [tilespmem:s24+$0x0]  }
0x1e1: {  	v0 =	vld.idx.msk [tilespmem:v0+s2+$0x0], $0xffff  }
0x1e2: {  	s25 =	simm.s32 $0xFB80;
	v1 =	vld.idx.msk [tilespmem:v1+s2+$0x0], $0xffff  }
0x1e3: {  	[tilespmem:s25+$0x80] =	vst v4;
	v2 =	vld.idx.msk [tilespmem:v2+s2+$0x0], $0xffff  }
0x1e4: {  	[tilespmem:s25+$0xFFFFFF80] =	vst v5;
	v4 =	vld [tilespmem:s24+$0x90]  }
0x1e5: {  	v5 =	vld [tilespmem:s24+$0xFFFFFF90]  }
0x1e6: {  	v3 =	vld.idx.msk [tilespmem:v3+s2+$0x0], $0xffff;
	[tilespmem:s23+$0xB0] =	vst v0  }
0x1e7: {  	[tilespmem:s23+$0xFFFFFFB0] =	vst v1;
	v0 =	vld [tilespmem:s26+$0xC0]  }
0x1e8: {  	[tilespmem:s23+$0x30] =	vst v2;
	v1 =	vld [tilespmem:s26+$0xFFFFFFC0]  }
0x1e9: {  	v2 =	vld [tilespmem:s26+$0x40]  }
0x1ea: {  	v7 =	vld [tilespmem:s24+$0xFFFFFF00]  }
0x1eb: {  	v6 =	vld.idx.msk [tilespmem:v6+s2+$0x0], $0xffff  }
0x1ec: {  	v4 =	vld.idx.msk [tilespmem:v4+s2+$0x0], $0xffff;
	[tilespmem:s23+$0xFFFFFF30] =	vst v3  }
0x1ed: {  	v3 =	vld [tilespmem:s26+$0xFFFFFF40]  }
0x1ee: {  	v5 =	vld.idx.msk [tilespmem:v5+s2+$0x0], $0xffff  }
0x1ef: {  	v0 =	vld.idx.msk [tilespmem:v0+s2+$0x0], $0xffff  }
0x1f0: {  	v1 =	vld.idx.msk [tilespmem:v1+s2+$0x0], $0xffff  }
0x1f1: {  	[tilespmem:s25+$0x0] =	vst v6;
	v2 =	vld.idx.msk [tilespmem:v2+s2+$0x0], $0xffff  }
0x1f2: {  	[tilespmem:s25+$0x90] =	vst v4  }
0x1f3: {  	v7 =	vld.idx.msk [tilespmem:v7+s2+$0x0], $0xffff;
	[tilespmem:s25+$0xFFFFFF90] =	vst v5  }
0x1f4: {  	v5 =	vld [tilespmem:s24+$0xA0];
	[tilespmem:s23+$0xC0] =	vst v0  }
0x1f5: {  	[tilespmem:s23+$0xFFFFFFC0] =	vst v1;
	v1 =	vld.idx.msk [tilespmem:v3+s2+$0x0], $0xffff  }
0x1f6: {  	[tilespmem:s23+$0x40] =	vst v2;
	v2 =	vld [tilespmem:s24+$0x10]  }
0x1f7: {  	v0 =	vld [tilespmem:s26+$0xD0]  }
0x1f8: {  	v3 =	vld [tilespmem:s26+$0xFFFFFFD0]  }
0x1f9: {  	[tilespmem:s25+$0xFFFFFF00] =	vst v7;
	v6 =	vld [tilespmem:s26+$0x50]  }
0x1fa: {  	[tilespmem:s23+$0xFFFFFF40] =	vst v1;
	v1 =	vld [tilespmem:s24+$0xFFFFFF10]  }
0x1fb: {  	v7 =	vld [tilespmem:s26+$0xFFFFFF50];
	_ =	sdelay $0x1  }
0x1fc: {  	v5 =	vld.idx.msk [tilespmem:v5+s2+$0x0], $0xffff  }
0x1fd: {  	v2 =	vld.idx.msk [tilespmem:v2+s2+$0x0], $0xffff  }
0x1fe: {  	v0 =	vld.idx.msk [tilespmem:v0+s2+$0x0], $0xffff  }
0x1ff: {  	v3 =	vld.idx.msk [tilespmem:v3+s2+$0x0], $0xffff  }
0x200: {  	v6 =	vld.idx.msk [tilespmem:v6+s2+$0x0], $0xffff  }
0x201: {  	v1 =	vld.idx.msk [tilespmem:v1+s2+$0x0], $0xffff  }
0x202: {  	v4 =	vld.idx.msk [tilespmem:v7+s2+$0x0], $0xffff  }
0x203: {  	[tilespmem:s25+$0x10] =	vst v2;
	v7 =	vld [tilespmem:s24+$0xFFFFFFA0]  }
0x204: {  	[tilespmem:s23+$0xD0] =	vst v0;
	v2 =	vld [tilespmem:s24+$0x20]  }
0x205: {  	[tilespmem:s23+$0xFFFFFFD0] =	vst v3;
	v0 =	vld [tilespmem:s26+$0xE0]  }
0x206: {  	v3 =	vld [tilespmem:s26+$0xFFFFFFE0];
	[tilespmem:s25+$0xFFFFFF10] =	vst v1  }
0x207: {  	v1 =	vld [tilespmem:s24+$0xFFFFFF20];
	[tilespmem:s23+$0xFFFFFF50] =	vst v4  }
0x208: {  	[tilespmem:s25+$0xA0] =	vst v5;
	v4 =	vld [tilespmem:s26+$0xFFFFFF60]  }
0x209: {  	v5 =	vld [tilespmem:s24+$0xB0];
	[tilespmem:s23+$0x50] =	vst v6  }
0x20a: {  	v6 =	vld [tilespmem:s26+$0x60]  }
0x20b: {  	v7 =	vld.idx.msk [tilespmem:v7+s2+$0x0], $0xffff  }
0x20c: {  	v2 =	vld.idx.msk [tilespmem:v2+s2+$0x0], $0xffff  }
0x20d: {  	v0 =	vld.idx.msk [tilespmem:v0+s2+$0x0], $0xffff  }
0x20e: {  	v3 =	vld.idx.msk [tilespmem:v3+s2+$0x0], $0xffff  }
0x20f: {  	v1 =	vld.idx.msk [tilespmem:v1+s2+$0x0], $0xffff  }
0x210: {  	[tilespmem:s25+$0xFFFFFFA0] =	vst v7;
	v4 =	vld.idx.msk [tilespmem:v4+s2+$0x0], $0xffff  }
0x211: {  	[tilespmem:s25+$0x20] =	vst v2;
	v7 =	vld [tilespmem:s24+$0xFFFFFFB0]  }
0x212: {  	[tilespmem:s23+$0xE0] =	vst v0;
	v2 =	vld [tilespmem:s24+$0x30]  }
0x213: {  	v0 =	vld [tilespmem:s26+$0xF0]  }
0x214: {  	v6 =	vld.idx.msk [tilespmem:v6+s2+$0x0], $0xffff;
	[tilespmem:s25+$0xFFFFFF20] =	vst v1  }
0x215: {  	[tilespmem:s23+$0xFFFFFFE0] =	vst v3;
	v1 =	vld [tilespmem:s24+$0xFFFFFF30]  }
0x216: {  	v3 =	vld.idx.msk [tilespmem:v5+s2+$0x0], $0xffff;
	[tilespmem:s23+$0xFFFFFF60] =	vst v4  }
0x217: {  	v4 =	vld [tilespmem:s26+$0xFFFFFF70]  }
0x218: {  	v9 =	vld [tilespmem:s26+$0xFFFFFFF0]  }
0x219: {  	v5 =	vld.idx.msk [tilespmem:v7+s2+$0x0], $0xffff  }
0x21a: {  	v2 =	vld.idx.msk [tilespmem:v2+s2+$0x0], $0xffff  }
0x21b: {  	[tilespmem:s23+$0x60] =	vst v6;
	v8 =	vld.idx.msk [tilespmem:v0+s2+$0x0], $0xffff  }
0x21c: {  	v0 =	vld [tilespmem:s26+$0x70]  }
0x21d: {  	[tilespmem:s25+$0xB0] =	vst v3;
	v6 =	vld.idx.msk [tilespmem:v1+s2+$0x0], $0xffff  }
0x21e: {  	[tilespmem:s25+$0xFFFFFFB0] =	vst v5;
	v5 =	vld [tilespmem:s24+$0xC0]  }
0x21f: {  	v1 =	vld.idx.msk [tilespmem:v4+s2+$0x0], $0xffff  }
0x220: {  	[tilespmem:s25+$0x30] =	vst v2;
	v2 =	vld.idx.msk [tilespmem:v9+s2+$0x0], $0xffff  }
0x221: {  	v3 =	vld [tilespmem:s24+$0xFFFFFFC0]  }
0x222: {  	s28 =	simm.s32 $0x4;
	s29 =	simm.s32 $0x580;
	s26 =	simm.s32 $0xFB80;
	v4 =	vld [tilespmem:s24+$0x40];
	[tilespmem:s23+$0xF0] =	vst v8  }
.LBB2_6:
0x223: {  	v7 =	vld [tilespmem:s29+$0x80];
	s28 =	sadd.s32 $0x4, s28;
	[tilespmem:s25+$0xFFFFFF30] =	vst v6  }
0x224: {  	v6 =	vld [tilespmem:s29+$0xFFFFFF80];
	p0 =	slt.u32 s28, $0xF4;
	[tilespmem:s23+$0xFFFFFF70] =	vst v1  }
0x225: {  	v1 =	vld [tilespmem:s29+$0x0]  }
0x226: {  	v8 =	vld [tilespmem:s29+$0xFFFFFF00]  }
0x227: {  	v5 =	vld.idx.msk [tilespmem:v5+s2+$0x0], $0xffff  }
0x228: {  	v9 =	vld [tilespmem:s24+$0xFFFFFF40];
	[tilespmem:s23+$0xFFFFFFF0] =	vst v2  }
0x229: {  	v2 =	vld.idx.msk [tilespmem:v3+s2+$0x0], $0xffff  }
0x22a: {  	v3 =	vld.idx.msk [tilespmem:v4+s2+$0x0], $0xffff  }
0x22b: {  	v4 =	vld.idx.msk [tilespmem:v7+s2+$0x0], $0xffff  }
0x22c: {  	v6 =	vld.idx.msk [tilespmem:v6+s2+$0x0], $0xffff  }
0x22d: {  	v1 =	vld.idx.msk [tilespmem:v1+s2+$0x0], $0xffff;
	[tilespmem:s25+$0xC0] =	vst v5  }
0x22e: {  	v5 =	vld [tilespmem:s24+$0xD0]  }
0x22f: {  	v7 =	vld.idx.msk [tilespmem:v8+s2+$0x0], $0xffff;
	[tilespmem:s25+$0xFFFFFFC0] =	vst v2  }
0x230: {  	s25 =	sadd.s32 $0x200, s25;
	v2 =	vld.idx.msk [tilespmem:v9+s2+$0x0], $0xffff;
	[tilespmem:s26+$0x40] =	vst v3  }
0x231: {  	[tilespmem:s25+$0x80] =	vst v4;
	v3 =	vld [tilespmem:s24+$0xFFFFFFD0]  }
0x232: {  	[tilespmem:s25+$0xFFFFFF80] =	vst v6;
	v4 =	vld [tilespmem:s29+$0x90]  }
0x233: {  	v6 =	vld [tilespmem:s29+$0xFFFFFF90];
	[tilespmem:s25+$0x0] =	vst v1  }
0x234: {  	v1 =	vld [tilespmem:s29+$0x10]  }
0x235: {  	[tilespmem:s25+$0xFFFFFF00] =	vst v7;
	v7 =	vld [tilespmem:s24+$0x50]  }
0x236: {  	[tilespmem:s26+$0xFFFFFF40] =	vst v2;
	v2 =	vld.idx.msk [tilespmem:v5+s2+$0x0], $0xffff  }
0x237: {  	v5 =	vld [tilespmem:s29+$0xFFFFFF10]  }
0x238: {  	v8 =	vld [tilespmem:s24+$0xFFFFFF50]  }
0x239: {  	v3 =	vld.idx.msk [tilespmem:v3+s2+$0x0], $0xffff  }
0x23a: {  	v4 =	vld.idx.msk [tilespmem:v4+s2+$0x0], $0xffff  }
0x23b: {  	v6 =	vld.idx.msk [tilespmem:v6+s2+$0x0], $0xffff  }
0x23c: {  	v1 =	vld.idx.msk [tilespmem:v1+s2+$0x0], $0xffff;
	[tilespmem:s26+$0xD0] =	vst v2  }
0x23d: {  	v2 =	vld [tilespmem:s24+$0xE0]  }
0x23e: {  	v7 =	vld.idx.msk [tilespmem:v7+s2+$0x0], $0xffff  }
0x23f: {  	v5 =	vld.idx.msk [tilespmem:v5+s2+$0x0], $0xffff;
	[tilespmem:s26+$0xFFFFFFD0] =	vst v3  }
0x240: {  	[tilespmem:s25+$0x90] =	vst v4;
	v3 =	vld.idx.msk [tilespmem:v8+s2+$0x0], $0xffff  }
0x241: {  	[tilespmem:s25+$0xFFFFFF90] =	vst v6;
	v4 =	vld [tilespmem:s29+$0xA0]  }
0x242: {  	v6 =	vld [tilespmem:s29+$0xFFFFFFA0];
	[tilespmem:s25+$0x10] =	vst v1  }
0x243: {  	v1 =	vld [tilespmem:s29+$0x20]  }
0x244: {  	v8 =	vld [tilespmem:s24+$0xFFFFFFE0];
	[tilespmem:s26+$0x50] =	vst v7  }
0x245: {  	[tilespmem:s25+$0xFFFFFF10] =	vst v5;
	v2 =	vld.idx.msk [tilespmem:v2+s2+$0x0], $0xffff  }
0x246: {  	v5 =	vld [tilespmem:s29+$0xFFFFFF20];
	[tilespmem:s26+$0xFFFFFF50] =	vst v3  }
0x247: {  	v3 =	vld [tilespmem:s24+$0xFFFFFF60]  }
0x248: {  	v7 =	vld [tilespmem:s24+$0x60]  }
0x249: {  	v4 =	vld.idx.msk [tilespmem:v4+s2+$0x0], $0xffff  }
0x24a: {  	v6 =	vld.idx.msk [tilespmem:v6+s2+$0x0], $0xffff  }
0x24b: {  	v1 =	vld.idx.msk [tilespmem:v1+s2+$0x0], $0xffff;
	[tilespmem:s26+$0xE0] =	vst v2  }
0x24c: {  	v2 =	vld [tilespmem:s24+$0xF0]  }
0x24d: {  	v8 =	vld.idx.msk [tilespmem:v8+s2+$0x0], $0xffff  }
0x24e: {  	v5 =	vld.idx.msk [tilespmem:v5+s2+$0x0], $0xffff  }
0x24f: {  	[tilespmem:s25+$0xA0] =	vst v4;
	v3 =	vld.idx.msk [tilespmem:v3+s2+$0x0], $0xffff  }
0x250: {  	[tilespmem:s25+$0xFFFFFFA0] =	vst v6;
	v4 =	vld [tilespmem:s29+$0xB0]  }
0x251: {  	v6 =	vld [tilespmem:s29+$0xFFFFFFB0];
	[tilespmem:s25+$0x20] =	vst v1  }
0x252: {  	v1 =	vld [tilespmem:s29+$0x30]  }
0x253: {  	[tilespmem:s26+$0xFFFFFFE0] =	vst v8;
	v7 =	vld.idx.msk [tilespmem:v7+s2+$0x0], $0xffff  }
0x254: {  	[tilespmem:s25+$0xFFFFFF20] =	vst v5;
	v2 =	vld.idx.msk [tilespmem:v2+s2+$0x0], $0xffff  }
0x255: {  	v5 =	vld [tilespmem:s29+$0xFFFFFF30];
	[tilespmem:s26+$0xFFFFFF60] =	vst v3  }
0x256: {  	v3 =	vld [tilespmem:s24+$0xFFFFFF70]  }
0x257: {  	v8 =	vld [tilespmem:s24+$0xFFFFFFF0]  }
0x258: {  	v4 =	vld.idx.msk [tilespmem:v4+s2+$0x0], $0xffff  }
0x259: {  	v9 =	vld.idx.msk [tilespmem:v6+s2+$0x0], $0xffff;
	[tilespmem:s26+$0x60] =	vst v7  }
0x25a: {  	v7 =	vld.idx.msk [tilespmem:v1+s2+$0x0], $0xffff;
	[tilespmem:s26+$0xF0] =	vst v2  }
0x25b: {  	v2 =	vld [tilespmem:s24+$0x70];
	s24 =	smov.u32 s29  }
0x25c: {  	v10 =	vld.idx.msk [tilespmem:v0+s2+$0x0], $0xffff  }
0x25d: {  	v6 =	vld.idx.msk [tilespmem:v5+s2+$0x0], $0xffff  }
.Ltmp2:
0x25e: {  	[tilespmem:s25+$0xB0] =	vst v4;
	v1 =	vld.idx.msk [tilespmem:v3+s2+$0x0], $0xffff;
	(pc) =	sbr.rel @p0 .LBB2_6-.Ltmp2, $4  }
0x25f: {  	[tilespmem:s25+$0xFFFFFFB0] =	vst v9;
	v5 =	vld [tilespmem:s29+$0xC0]  }
0x260: {  	v3 =	vld [tilespmem:s29+$0xFFFFFFC0];
	[tilespmem:s25+$0x30] =	vst v7;
	v0 =	vmov v2  }
0x261: {  	v4 =	vld [tilespmem:s29+$0x40]  }
0x262: {  	s29 =	sadd.s32 $0x200, s29;
	v2 =	vld.idx.msk [tilespmem:v8+s2+$0x0], $0xffff;
	[tilespmem:s23+$0x70] =	vst v10;
	s23 =	smov.u32 s26;
	s26 =	smov.u32 s25  }
0x263: {  	[tilespmem:s25+$0xFFFFFF30] =	vst v6  }
0x264: {  	v6 =	vld [tilespmem:s24+$0xFFFFFF40];
	_ =	sdelay $0x4  }
0x265: {  	v5 =	vld.idx.msk [tilespmem:v5+s2+$0x0], $0xffff  }
0x266: {  	v3 =	vld.idx.msk [tilespmem:v3+s2+$0x0], $0xffff  }
0x267: {  	v4 =	vld.idx.msk [tilespmem:v4+s2+$0x0], $0xffff  }
0x268: {  	v6 =	vld.idx.msk [tilespmem:v6+s2+$0x0], $0xffff;
	_ =	sdelay $0x1  }
0x269: {  	[tilespmem:s25+$0xC0] =	vst v5  }
0x26a: {  	v5 =	vld [tilespmem:s24+$0xD0];
	[tilespmem:s25+$0xFFFFFFC0] =	vst v3  }
0x26b: {  	[tilespmem:s26+$0x40] =	vst v4;
	v4 =	vld [tilespmem:s24+$0xFFFFFFD0]  }
0x26c: {  	[tilespmem:s26+$0xFFFFFF40] =	vst v6;
	v6 =	vld [tilespmem:s24+$0x50]  }
0x26d: {  	v3 =	vld [tilespmem:s24+$0xFFFFFF50];
	_ =	sdelay $0x4  }
0x26e: {  	v5 =	vld.idx.msk [tilespmem:v5+s2+$0x0], $0xffff  }
0x26f: {  	v4 =	vld.idx.msk [tilespmem:v4+s2+$0x0], $0xffff  }
0x270: {  	v6 =	vld.idx.msk [tilespmem:v6+s2+$0x0], $0xffff  }
0x271: {  	v3 =	vld.idx.msk [tilespmem:v3+s2+$0x0], $0xffff;
	_ =	sdelay $0x1  }
0x272: {  	[tilespmem:s26+$0xD0] =	vst v5  }
0x273: {  	v5 =	vld [tilespmem:s24+$0xE0];
	[tilespmem:s26+$0xFFFFFFD0] =	vst v4  }
0x274: {  	v4 =	vld [tilespmem:s24+$0xFFFFFFE0];
	[tilespmem:s26+$0x50] =	vst v6  }
0x275: {  	[tilespmem:s26+$0xFFFFFF50] =	vst v3;
	v6 =	vld [tilespmem:s24+$0x60]  }
0x276: {  	v3 =	vld [tilespmem:s24+$0xFFFFFF60];
	_ =	sdelay $0x4  }
0x277: {  	v5 =	vld.idx.msk [tilespmem:v5+s2+$0x0], $0xffff  }
0x278: {  	v4 =	vld.idx.msk [tilespmem:v4+s2+$0x0], $0xffff  }
0x279: {  	v6 =	vld.idx.msk [tilespmem:v6+s2+$0x0], $0xffff  }
0x27a: {  	v3 =	vld.idx.msk [tilespmem:v3+s2+$0x0], $0xffff;
	_ =	sdelay $0x1  }
0x27b: {  	[tilespmem:s26+$0xE0] =	vst v5  }
0x27c: {  	v5 =	vld [tilespmem:s24+$0xF0];
	[tilespmem:s26+$0xFFFFFFE0] =	vst v4  }
0x27d: {  	v4 =	vld [tilespmem:s24+$0xFFFFFFF0];
	[tilespmem:s26+$0x60] =	vst v6  }
0x27e: {  	[tilespmem:s26+$0xFFFFFF60] =	vst v3;
	v6 =	vld [tilespmem:s24+$0x70]  }
0x27f: {  	v3 =	vld [tilespmem:s24+$0xFFFFFF70];
	_ =	sdelay $0x3  }
0x280: {  	v0 =	vld.idx.msk [tilespmem:v0+s2+$0x0], $0xffff  }
0x281: {  	v5 =	vld.idx.msk [tilespmem:v5+s2+$0x0], $0xffff  }
0x282: {  	[tilespmem:s23+$0xFFFFFF70] =	vst v1;
	v1 =	vld.idx.msk [tilespmem:v4+s2+$0x0], $0xffff  }
0x283: {  	[tilespmem:s23+$0xFFFFFFF0] =	vst v2;
	v2 =	vld.idx.msk [tilespmem:v6+s2+$0x0], $0xffff  }
0x284: {  	v3 =	vld.idx.msk [tilespmem:v3+s2+$0x0], $0xffff  }
0x285: {  	[tilespmem:s23+$0x70] =	vst v0  }
0x286: {  	[tilespmem:s26+$0xF0] =	vst v5  }
0x287: {  	[tilespmem:s26+$0xFFFFFFF0] =	vst v1  }
0x288: {  	[tilespmem:s26+$0x70] =	vst v2  }
0x289: {  	s31 =	simm.s32 $0x0;
	[tilespmem:s26+$0xFFFFFF70] =	vst v3  }
0x28a: {  	[hbm4b:s10+s31] =	stream.linear.scatter [tilespmem:s17], [sflag:$0x3], $0x7C00, $0x38;
	[tilespmem:$0x1F080] =	vst v63  }
0x28b: {  	_ =	swait.ge [sflag:s18], $0x7C00  }
0x28c: {  	[sflag:s18] =	ssyncset.done $0x0  }
0x28d: {  	[sflag:s18] =	ssyncadd.s32 $0xFFFF8400  }
0x28e: {  	_ =	swait.ge [sflag:s21], $0x7C00  }
0x28f: {  	[sflag:s21] =	ssyncset.done $0x0  }
0x290: {  	s23 =	simm.s32 $0x0;
	[sflag:s21] =	ssyncadd.s32 $0xFFFF8400  }
0x291: {  	v0 =	vld [tilespmem:s23+$0x7E00]  }
0x292: {  	v1 =	vld [tilespmem:s23+$0x7C80]  }
0x293: {  	v2 =	vld [tilespmem:s23+$0x7D00]  }
0x294: {  	v3 =	vld [tilespmem:s23+$0x7D80]  }
0x295: {  	v4 =	vld [tilespmem:s23+$0x7C90]  }
0x296: {  	v5 =	vld [tilespmem:s23+$0x7D10]  }
0x297: {  	v6 =	vld [tilespmem:s23+$0x7D90]  }
0x298: {  	v7 =	vld [tilespmem:s23+$0x7E10]  }
0x299: {  	v8 =	vld [tilespmem:s23+$0x7CA0]  }
0x29a: {  	s24 =	simm.s32 $0x200;
	v9 =	vld [tilespmem:s23+$0x7D20]  }
0x29b: {  	v10 =	vld [tilespmem:s24+$0x7C90]  }
0x29c: {  	v11 =	vld [tilespmem:s24+$0x7D10]  }
0x29d: {  	v12 =	vld [tilespmem:s24+$0x7D90]  }
0x29e: {  	v13 =	vld [tilespmem:s24+$0x7E10]  }
0x29f: {  	v14 =	vld [tilespmem:s24+$0x7CA0]  }
0x2a0: {  	v15 =	vld [tilespmem:s24+$0x7D20]  }
0x2a1: {  	v52 =	vld [tilespmem:s24+$0x7DA0]  }
0x2a2: {  	v53 =	vld [tilespmem:s24+$0x7CB0]  }
0x2a3: {  	v54 =	vld [tilespmem:s24+$0x7DB0]  }
0x2a4: {  	v55 =	vld [tilespmem:s24+$0x7D40]  }
0x2a5: {  	v1 =	vld.idx.msk [tilespmem:v1+s2+$0x0], $0xffff  }
0x2a6: {  	v2 =	vld.idx.msk [tilespmem:v2+s2+$0x0], $0xffff  }
0x2a7: {  	v3 =	vld.idx.msk [tilespmem:v3+s2+$0x0], $0xffff  }
0x2a8: {  	v56 =	vld [tilespmem:s24+$0x7DC0]  }
0x2a9: {  	v0 =	vld.idx.msk [tilespmem:v0+s2+$0x0], $0xffff  }
0x2aa: {  	v57 =	vld [tilespmem:s24+$0x7CD0];
	[tilespmem:s23+$0x17480] =	vst v1  }
0x2ab: {  	[tilespmem:s23+$0x17500] =	vst v2;
	v4 =	vld.idx.msk [tilespmem:v4+s2+$0x0], $0xffff  }
0x2ac: {  	[tilespmem:s23+$0x17580] =	vst v3;
	v2 =	vld.idx.msk [tilespmem:v5+s2+$0x0], $0xffff  }
0x2ad: {  	v3 =	vld.idx.msk [tilespmem:v6+s2+$0x0], $0xffff  }
0x2ae: {  	[tilespmem:s23+$0x17600] =	vst v0;
	v5 =	vld [tilespmem:s23+$0x7DA0]  }
0x2af: {  	v1 =	vld.idx.msk [tilespmem:v7+s2+$0x0], $0xffff  }
0x2b0: {  	v6 =	vld [tilespmem:s23+$0x7CB0];
	[tilespmem:s23+$0x17490] =	vst v4  }
0x2b1: {  	[tilespmem:s23+$0x17510] =	vst v2;
	v4 =	vld.idx.msk [tilespmem:v8+s2+$0x0], $0xffff  }
0x2b2: {  	v2 =	vld.idx.msk [tilespmem:v9+s2+$0x0], $0xffff  }
0x2b3: {  	[tilespmem:s23+$0x17590] =	vst v3;
	v3 =	vld [tilespmem:s23+$0x7D30]  }
0x2b4: {  	v7 =	vld [tilespmem:s23+$0x7DB0]  }
0x2b5: {  	v58 =	vld [tilespmem:s24+$0x7D50]  }
0x2b6: {  	v5 =	vld.idx.msk [tilespmem:v5+s2+$0x0], $0xffff;
	[tilespmem:s23+$0x174A0] =	vst v4  }
0x2b7: {  	[tilespmem:s23+$0x17520] =	vst v2;
	v2 =	vld [tilespmem:s23+$0x7CC0]  }
0x2b8: {  	v4 =	vld.idx.msk [tilespmem:v6+s2+$0x0], $0xffff  }
0x2b9: {  	v59 =	vld [tilespmem:s24+$0x7DD0]  }
0x2ba: {  	v6 =	vld [tilespmem:s23+$0x7D40]  }
0x2bb: {  	v3 =	vld.idx.msk [tilespmem:v3+s2+$0x0], $0xffff;
	[tilespmem:s23+$0x175A0] =	vst v5  }
0x2bc: {  	v5 =	vld.idx.msk [tilespmem:v7+s2+$0x0], $0xffff  }
0x2bd: {  	[tilespmem:s23+$0x174B0] =	vst v4;
	v4 =	vld [tilespmem:s23+$0x7DC0]  }
0x2be: {  	v7 =	vld [tilespmem:s23+$0x7CD0]  }
0x2bf: {  	v61 =	vld [tilespmem:s24+$0x7D60]  }
0x2c0: {  	v2 =	vld.idx.msk [tilespmem:v2+s2+$0x0], $0xffff  }
0x2c1: {  	v62 =	vld [tilespmem:s24+$0x7DE0];
	[tilespmem:s23+$0x17530] =	vst v3  }
0x2c2: {  	v3 =	vld.idx.msk [tilespmem:v6+s2+$0x0], $0xffff  }
0x2c3: {  	v6 =	vld [tilespmem:s23+$0x7D50]  }
0x2c4: {  	[tilespmem:s23+$0x175B0] =	vst v5;
	v5 =	vld [tilespmem:s23+$0x7DD0]  }
0x2c5: {  	[tilespmem:s23+$0x174C0] =	vst v2;
	v2 =	vld.idx.msk [tilespmem:v4+s2+$0x0], $0xffff  }
0x2c6: {  	v4 =	vld.idx.msk [tilespmem:v7+s2+$0x0], $0xffff  }
0x2c7: {  	[tilespmem:s23+$0x17540] =	vst v3;
	v3 =	vld [tilespmem:s23+$0x7CE0]  }
0x2c8: {  	v0 =	vld [tilespmem:s23+$0x7E20]  }
0x2c9: {  	v7 =	vld [tilespmem:s23+$0x7D60]  }
0x2ca: {  	[tilespmem:s23+$0x17610] =	vst v1;
	v1 =	vld [tilespmem:s23+$0x7E30]  }
0x2cb: {  	v6 =	vld.idx.msk [tilespmem:v6+s2+$0x0], $0xffff;
	[tilespmem:s23+$0x175C0] =	vst v2  }
0x2cc: {  	[tilespmem:s23+$0x174D0] =	vst v4;
	v4 =	vld [tilespmem:s23+$0x7DE0]  }
0x2cd: {  	v2 =	vld.idx.msk [tilespmem:v5+s2+$0x0], $0xffff  }
0x2ce: {  	v5 =	vld [tilespmem:s23+$0x7CF0]  }
0x2cf: {  	v3 =	vld.idx.msk [tilespmem:v3+s2+$0x0], $0xffff  }
0x2d0: {  	v0 =	vld.idx.msk [tilespmem:v0+s2+$0x0], $0xffff;
	[tilespmem:s23+$0x17550] =	vst v6  }
0x2d1: {  	v6 =	vld.idx.msk [tilespmem:v7+s2+$0x0], $0xffff  }
0x2d2: {  	v7 =	vld [tilespmem:s24+$0x7D80]  }
0x2d3: {  	[tilespmem:s23+$0x175D0] =	vst v2;
	v2 =	vld [tilespmem:s24+$0x7E00]  }
0x2d4: {  	[tilespmem:s23+$0x174E0] =	vst v3;
	v3 =	vld.idx.msk [tilespmem:v4+s2+$0x0], $0xffff  }
0x2d5: {  	v4 =	vld [tilespmem:s24+$0x7C80]  }
0x2d6: {  	v51 =	vld.idx.msk [tilespmem:v5+s2+$0x0], $0xffff  }
0x2d7: {  	v5 =	vld [tilespmem:s24+$0x7D00]  }
0x2d8: {  	v63 =	vld [tilespmem:s24+$0x7CF0]  }
0x2d9: {  	v8 =	vld [tilespmem:s23+$0x7D70]  }
0x2da: {  	[tilespmem:s23+$0x17620] =	vst v0;
	v0 =	vld [tilespmem:s23+$0x7E40]  }
0x2db: {  	v2 =	vld.idx.msk [tilespmem:v2+s2+$0x0], $0xffff  }
0x2dc: {  	v1 =	vld.idx.msk [tilespmem:v1+s2+$0x0], $0xffff  }
0x2dd: {  	v4 =	vld.idx.msk [tilespmem:v4+s2+$0x0], $0xffff  }
0x2de: {  	v7 =	vld.idx.msk [tilespmem:v7+s2+$0x0], $0xffff  }
0x2df: {  	v5 =	vld.idx.msk [tilespmem:v5+s2+$0x0], $0xffff  }
0x2e0: {  	[tilespmem:s24+$0x17600] =	vst v2;
	v2 =	vld [tilespmem:s24+$0x7E20]  }
0x2e1: {  	[tilespmem:s23+$0x17630] =	vst v1;
	v1 =	vld [tilespmem:s23+$0x7E50]  }
0x2e2: {  	[tilespmem:s24+$0x17480] =	vst v4;
	v4 =	vld.idx.msk [tilespmem:v13+s2+$0x0], $0xffff  }
0x2e3: {  	v0 =	vld.idx.msk [tilespmem:v0+s2+$0x0], $0xffff;
	[tilespmem:s24+$0x17580] =	vst v7  }
0x2e4: {  	v7 =	vld.idx.msk [tilespmem:v12+s2+$0x0], $0xffff;
	[tilespmem:s24+$0x17500] =	vst v5  }
0x2e5: {  	v5 =	vld.idx.msk [tilespmem:v11+s2+$0x0], $0xffff  }
0x2e6: {  	v10 =	vld.idx.msk [tilespmem:v10+s2+$0x0], $0xffff  }
0x2e7: {  	[tilespmem:s24+$0x17610] =	vst v4;
	v4 =	vld [tilespmem:s24+$0x7E30]  }
0x2e8: {  	[tilespmem:s23+$0x17640] =	vst v0;
	v2 =	vld.idx.msk [tilespmem:v2+s2+$0x0], $0xffff  }
0x2e9: {  	v0 =	vld [tilespmem:s23+$0x7E60];
	[tilespmem:s24+$0x17590] =	vst v7  }
0x2ea: {  	v7 =	vld [tilespmem:s24+$0x7D30];
	[tilespmem:s24+$0x17510] =	vst v5  }
0x2eb: {  	[tilespmem:s24+$0x17490] =	vst v10;
	v5 =	vld.idx.msk [tilespmem:v15+s2+$0x0], $0xffff  }
0x2ec: {  	v10 =	vld.idx.msk [tilespmem:v14+s2+$0x0], $0xffff  }
0x2ed: {  	[tilespmem:s24+$0x17620] =	vst v2;
	v2 =	vld [tilespmem:s24+$0x7E40]  }
0x2ee: {  	v1 =	vld.idx.msk [tilespmem:v1+s2+$0x0], $0xffff  }
0x2ef: {  	v4 =	vld.idx.msk [tilespmem:v4+s2+$0x0], $0xffff  }
0x2f0: {  	[tilespmem:s24+$0x17520] =	vst v5;
	v5 =	vld [tilespmem:s24+$0x7CC0]  }
0x2f1: {  	v11 =	vld.idx.msk [tilespmem:v52+s2+$0x0], $0xffff;
	[tilespmem:s24+$0x174A0] =	vst v10  }
0x2f2: {  	v10 =	vld.idx.msk [tilespmem:v53+s2+$0x0], $0xffff  }
0x2f3: {  	v7 =	vld.idx.msk [tilespmem:v7+s2+$0x0], $0xffff  }
0x2f4: {  	[tilespmem:s24+$0x17630] =	vst v4;
	v4 =	vld [tilespmem:s24+$0x7E50]  }
0x2f5: {  	[tilespmem:s23+$0x17650] =	vst v1;
	v2 =	vld.idx.msk [tilespmem:v2+s2+$0x0], $0xffff  }
0x2f6: {  	v0 =	vld.idx.msk [tilespmem:v0+s2+$0x0], $0xffff;
	[tilespmem:s24+$0x175A0] =	vst v11  }
0x2f7: {  	v11 =	vld.idx.msk [tilespmem:v54+s2+$0x0], $0xffff;
	[tilespmem:s24+$0x174B0] =	vst v10  }
0x2f8: {  	[tilespmem:s24+$0x17530] =	vst v7;
	v5 =	vld.idx.msk [tilespmem:v5+s2+$0x0], $0xffff  }
0x2f9: {  	v7 =	vld.idx.msk [tilespmem:v55+s2+$0x0], $0xffff  }
0x2fa: {  	[tilespmem:s24+$0x17640] =	vst v2;
	v2 =	vld [tilespmem:s24+$0x7E60]  }
0x2fb: {  	v1 =	vld [tilespmem:s23+$0x7E70]  }
0x2fc: {  	[tilespmem:s24+$0x175B0] =	vst v11;
	v4 =	vld.idx.msk [tilespmem:v4+s2+$0x0], $0xffff  }
0x2fd: {  	[tilespmem:s24+$0x174C0] =	vst v5;
	v5 =	vld.idx.msk [tilespmem:v56+s2+$0x0], $0xffff  }
0x2fe: {  	[tilespmem:s23+$0x17660] =	vst v0;
	v0 =	vld [tilespmem:s23+$0x7DF0]  }
0x2ff: {  	[tilespmem:s24+$0x17540] =	vst v7;
	v7 =	vld [tilespmem:s24+$0x7CE0]  }
0x300: {  	v60 =	vld.idx.msk [tilespmem:v57+s2+$0x0], $0xffff  }
0x301: {  	[tilespmem:s24+$0x17650] =	vst v4;
	v4 =	vld [tilespmem:s24+$0x7E70]  }
0x302: {  	[tilespmem:s24+$0x175C0] =	vst v5;
	v2 =	vld.idx.msk [tilespmem:v2+s2+$0x0], $0xffff  }
0x303: {  	v5 =	vld.idx.msk [tilespmem:v59+s2+$0x0], $0xffff  }
0x304: {  	[tilespmem:s23+$0x17560] =	vst v6;
	v12 =	vld.idx.msk [tilespmem:v58+s2+$0x0], $0xffff  }
0x305: {  	v1 =	vld.idx.msk [tilespmem:v1+s2+$0x0], $0xffff;
	[tilespmem:s23+$0x175E0] =	vst v3  }
0x306: {  	v3 =	vld.idx.msk [tilespmem:v8+s2+$0x0], $0xffff;
	[tilespmem:s24+$0x174D0] =	vst v60  }
0x307: {  	v7 =	vld.idx.msk [tilespmem:v7+s2+$0x0], $0xffff;
	[tilespmem:s24+$0x17660] =	vst v2  }
0x308: {  	[tilespmem:s24+$0x175D0] =	vst v5;
	v5 =	vld [tilespmem:s24+$0x7DF0]  }
0x309: {  	[tilespmem:s24+$0x17550] =	vst v12;
	v2 =	vld.idx.msk [tilespmem:v4+s2+$0x0], $0xffff  }
0x30a: {  	v4 =	vld.idx.msk [tilespmem:v61+s2+$0x0], $0xffff  }
0x30b: {  	[tilespmem:s23+$0x17670] =	vst v1;
	v1 =	vld [tilespmem:s24+$0x7D70]  }
0x30c: {  	[tilespmem:s24+$0x174E0] =	vst v7;
	v7 =	vld.idx.msk [tilespmem:v62+s2+$0x0], $0xffff  }
0x30d: {  	s25 =	simm.s32 $0x4;
	s26 =	simm.s32 $0x1000;
	[tilespmem:s23+$0x174F0] =	vst v51;
	v6 =	vld.idx.msk [tilespmem:v63+s2+$0x0], $0xffff  }
.LBB2_8:
0x30e: {  	s28 =	sshra.s32 s26, $0x2;
	s25 =	sadd.s32 $0x4, s25;
	[tilespmem:s24+$0x17670] =	vst v2;
	v2 =	vld.idx.msk [tilespmem:v0+s2+$0x0], $0xffff  }
0x30f: {  	v8 =	vld [tilespmem:s28+$0x7E00];
	p0 =	slt.u32 s25, $0xF4;
	[tilespmem:s24+$0x17560] =	vst v4;
	v0 =	vmov v5  }
0x310: {  	v4 =	vld [tilespmem:s28+$0x7C80]  }
0x311: {  	v5 =	vld [tilespmem:s28+$0x7D00];
	[tilespmem:s23+$0x17570] =	vst v3  }
0x312: {  	v3 =	vld [tilespmem:s28+$0x7D80];
	[tilespmem:s24+$0x175E0] =	vst v7  }
0x313: {  	v7 =	vld [tilespmem:s28+$0x7C90];
	[tilespmem:s24+$0x174F0] =	vst v6  }
0x314: {  	v6 =	vld [tilespmem:s28+$0x7D10];
	[tilespmem:s23+$0x175F0] =	vst v2;
	s23 =	smov.u32 s24;
	s24 =	smov.u32 s28  }
0x315: {  	v2 =	vld [tilespmem:s24+$0x7D90]  }
0x316: {  	v9 =	vld [tilespmem:s24+$0x7E10]  }
0x317: {  	v8 =	vld.idx.msk [tilespmem:v8+s2+$0x0], $0xffff  }
0x318: {  	v4 =	vld.idx.msk [tilespmem:v4+s2+$0x0], $0xffff  }
0x319: {  	v5 =	vld.idx.msk [tilespmem:v5+s2+$0x0], $0xffff  }
0x31a: {  	v3 =	vld.idx.msk [tilespmem:v3+s2+$0x0], $0xffff  }
0x31b: {  	v10 =	vld [tilespmem:s24+$0x7CA0]  }
0x31c: {  	v11 =	vld [tilespmem:s24+$0x7D20]  }
0x31d: {  	[tilespmem:s24+$0x17600] =	vst v8;
	v8 =	vld [tilespmem:s24+$0x7E20]  }
0x31e: {  	[tilespmem:s24+$0x17480] =	vst v4;
	v4 =	vld.idx.msk [tilespmem:v9+s2+$0x0], $0xffff  }
0x31f: {  	v7 =	vld.idx.msk [tilespmem:v7+s2+$0x0], $0xffff;
	[tilespmem:s24+$0x17500] =	vst v5  }
0x320: {  	v5 =	vld.idx.msk [tilespmem:v6+s2+$0x0], $0xffff;
	[tilespmem:s24+$0x17580] =	vst v3  }
0x321: {  	v2 =	vld.idx.msk [tilespmem:v2+s2+$0x0], $0xffff  }
0x322: {  	v3 =	vld [tilespmem:s24+$0x7DA0]  }
0x323: {  	v6 =	vld [tilespmem:s24+$0x7CB0]  }
0x324: {  	[tilespmem:s24+$0x17610] =	vst v4;
	v4 =	vld [tilespmem:s24+$0x7E30]  }
0x325: {  	[tilespmem:s24+$0x17490] =	vst v7;
	v7 =	vld.idx.msk [tilespmem:v8+s2+$0x0], $0xffff  }
0x326: {  	v8 =	vld.idx.msk [tilespmem:v10+s2+$0x0], $0xffff;
	[tilespmem:s24+$0x17510] =	vst v5  }
0x327: {  	v5 =	vld.idx.msk [tilespmem:v11+s2+$0x0], $0xffff;
	[tilespmem:s24+$0x17590] =	vst v2  }
0x328: {  	v2 =	vld [tilespmem:s24+$0x7D30]  }
0x329: {  	v9 =	vld [tilespmem:s24+$0x7DB0]  }
0x32a: {  	v3 =	vld.idx.msk [tilespmem:v3+s2+$0x0], $0xffff  }
0x32b: {  	[tilespmem:s24+$0x17620] =	vst v7;
	v7 =	vld [tilespmem:s24+$0x7E40]  }
0x32c: {  	[tilespmem:s24+$0x174A0] =	vst v8;
	v4 =	vld.idx.msk [tilespmem:v4+s2+$0x0], $0xffff  }
0x32d: {  	v6 =	vld.idx.msk [tilespmem:v6+s2+$0x0], $0xffff;
	[tilespmem:s24+$0x17520] =	vst v5  }
0x32e: {  	v5 =	vld [tilespmem:s24+$0x7CC0]  }
0x32f: {  	v8 =	vld [tilespmem:s24+$0x7D40]  }
0x330: {  	v2 =	vld.idx.msk [tilespmem:v2+s2+$0x0], $0xffff;
	[tilespmem:s24+$0x175A0] =	vst v3  }
0x331: {  	v3 =	vld.idx.msk [tilespmem:v9+s2+$0x0], $0xffff  }
0x332: {  	[tilespmem:s24+$0x17630] =	vst v4;
	v4 =	vld [tilespmem:s24+$0x7E50]  }
0x333: {  	[tilespmem:s24+$0x174B0] =	vst v6;
	v6 =	vld.idx.msk [tilespmem:v7+s2+$0x0], $0xffff  }
0x334: {  	v7 =	vld [tilespmem:s24+$0x7DC0]  }
0x335: {  	v9 =	vld [tilespmem:s24+$0x7CD0]  }
0x336: {  	v5 =	vld.idx.msk [tilespmem:v5+s2+$0x0], $0xffff;
	[tilespmem:s24+$0x17530] =	vst v2  }
0x337: {  	v2 =	vld.idx.msk [tilespmem:v8+s2+$0x0], $0xffff;
	[tilespmem:s24+$0x175B0] =	vst v3  }
0x338: {  	v3 =	vld [tilespmem:s24+$0x7D50]  }
0x339: {  	[tilespmem:s24+$0x17640] =	vst v6;
	v6 =	vld [tilespmem:s24+$0x7E60]  }
0x33a: {  	v4 =	vld.idx.msk [tilespmem:v4+s2+$0x0], $0xffff  }
0x33b: {  	v8 =	vld [tilespmem:s24+$0x7DD0]  }
0x33c: {  	[tilespmem:s24+$0x174C0] =	vst v5;
	v5 =	vld.idx.msk [tilespmem:v7+s2+$0x0], $0xffff  }
0x33d: {  	v7 =	vld.idx.msk [tilespmem:v9+s2+$0x0], $0xffff;
	[tilespmem:s24+$0x17540] =	vst v2  }
0x33e: {  	v2 =	vld [tilespmem:s24+$0x7CE0]  }
0x33f: {  	v9 =	vld [tilespmem:s24+$0x7D60]  }
0x340: {  	[tilespmem:s24+$0x17650] =	vst v4;
	v4 =	vld [tilespmem:s24+$0x7E70]  }
0x341: {  	v6 =	vld.idx.msk [tilespmem:v6+s2+$0x0], $0xffff  }
0x342: {  	v3 =	vld.idx.msk [tilespmem:v3+s2+$0x0], $0xffff;
	[tilespmem:s24+$0x175C0] =	vst v5  }
0x343: {  	[tilespmem:s24+$0x174D0] =	vst v7;
	v5 =	vld.idx.msk [tilespmem:v8+s2+$0x0], $0xffff  }
0x344: {  	v7 =	vld [tilespmem:s24+$0x7DE0]  }
0x345: {  	v8 =	vld [tilespmem:s24+$0x7CF0]  }
0x346: {  	v10 =	vld.idx.msk [tilespmem:v2+s2+$0x0], $0xffff  }
0x347: {  	v11 =	vld [tilespmem:s24+$0x7D70];
	[tilespmem:s24+$0x17660] =	vst v6  }
0x348: {  	[tilespmem:s24+$0x17550] =	vst v3;
	v2 =	vld.idx.msk [tilespmem:v4+s2+$0x0], $0xffff  }
.Ltmp3:
0x349: {  	v4 =	vld.idx.msk [tilespmem:v9+s2+$0x0], $0xffff;
	[tilespmem:s24+$0x175D0] =	vst v5;
	(pc) =	sbr.rel @p0 .LBB2_8-.Ltmp3, $4  }
0x34a: {  	v5 =	vld [tilespmem:s24+$0x7DF0]  }
0x34b: {  	v3 =	vld.idx.msk [tilespmem:v1+s2+$0x0], $0xffff  }
0x34c: {  	[tilespmem:s24+$0x174E0] =	vst v10;
	v7 =	vld.idx.msk [tilespmem:v7+s2+$0x0], $0xffff;
	v1 =	vmov v11  }
0x34d: {  	s26 =	sadd.s32 $0x800, s26;
	v6 =	vld.idx.msk [tilespmem:v8+s2+$0x0], $0xffff  }
0x34e: {  	_ =	sdelay $0x3  }
0x34f: {  	v0 =	vld.idx.msk [tilespmem:v0+s2+$0x0], $0xffff;
	[tilespmem:s24+$0x17560] =	vst v4  }
0x350: {  	v1 =	vld.idx.msk [tilespmem:v1+s2+$0x0], $0xffff;
	[tilespmem:s24+$0x175E0] =	vst v7  }
0x351: {  	[tilespmem:s24+$0x17670] =	vst v2;
	v63 =	vld.idx.msk [tilespmem:v5+s2+$0x0], $0xffff  }
0x352: {  	[tilespmem:s23+$0x17570] =	vst v3  }
0x353: {  	[tilespmem:s24+$0x174F0] =	vst v6  }
0x354: {  	[tilespmem:s23+$0x175F0] =	vst v0  }
0x355: {  	[tilespmem:s24+$0x17570] =	vst v1  }
0x356: {  	s22 =	sadd.s32 $0x1, s22;
	[tilespmem:s24+$0x175F0] =	vst v63  }
0x357: {  	[hbm4b:s11+s2] =	stream.linear.scatter [tilespmem:s19], [sflag:$0x4], $0x7C00, $0x38;
	[tilespmem:$0x1F080] =	vst v63  }
0x358: {  	p0 =	sne.s32 s22, s12;
	_ =	swait.ge [sflag:s20], $0x7C00  }
.Ltmp4:
0x359: {  	[sflag:s20] =	ssyncset.done $0x0;
	(pc) =	sbr.rel @p0 .LBB2_1-.Ltmp4, $4  }
0x35a: {  	[sflag:s20] =	ssyncadd.s32 $0xFFFF8400  }
0x35b: {  	_ =	swait.ge [sflag:s21], $0x7C00  }
0x35c: {  	[sflag:s21] =	ssyncset.done $0x0  }
0x35d: {  	[sflag:s21] =	ssyncadd.s32 $0xFFFF8400  }
0x35e: {  	_ =	sfence.sel $0x180000  }
0x35f: {  	[bflag:$0x0] =	sbarrier.arrive $0xFFFF  }
0x360: {  	p0 =	sne.s32 s0, $0x0;
	_ =	strace $0x90000047  }
0x361: {  	s0 =	sadd.s32 @!p0 $0x100000, s1;
	[bflag:$0x2] =	sbarrier.arrive $0xFFFF  }
0x362: {  	[sflag:s0] =	ssyncadd.tile.s32 @!p0 $0x1;
	_ =	shalt  }
.Lfunc_end2:
_tile_overlayer_lowered:
.L_overlay_start_2:
0x363: {  	(tag) =	ssettag $0x2  }
0x364: {  	s0 =	rddreg [dreg:$0x0];
	s2 =	stileid.u32  }
0x365: {  	s1 =	rddreg [dreg:$0x1];
	p0 =	sne.s32 s2, $0x0  }
0x366: {  	s3 =	rddreg [dreg:$0x2];
	[bflag:$0x3] =	sbarrier.arrive $0xFFFF;
	s2 =	simm.s32 @!p0 $0x1C05  }
0x367: {  	[timem:s3], [sflag:s2] =	dma.local @!p0 [hbm:s0], s1  }
0x368: {  	s0 =	simm.s32 @!p0 $0x5  }
0x369: {  	_ =	swait.ge @!p0 [sflag:s0], s1  }
0x36a: {  	s1 =	ssub.s32 @!p0 $0x0, s1;
	[sflag:s0] =	ssyncset.done @!p0 $0x0  }
0x36b: {  	[sflag:s0] =	ssyncadd.s32 @!p0 s1  }
0x36c: {  	[bflag:$0x3] =	sbarrier.arrive $0xFFFF  }
0x36d: {  	_ =	shalt  }

</sc_bundles>
